<compile_context>
chip_gen: v7x
topology: tpu7x:2x2x1
jax: 0.10.2.dev20260603
libtpu: 0.0.44.dev20260713+nightly
codegen_flags: <defaults>
</compile_context>

<pallas_src>
import functools

import jax
import jax.numpy as jnp
from jax import lax
from jax.experimental import pallas as pl
from jax.experimental.pallas import tpu as pltpu
from jax.experimental.pallas import tpu_sc as plsc

_K = 5
_NC = 2
_NS = 16
_NW = _NC * _NS
_L = 16
_LANES = 128
_NSTRIPES = 1
_NDB = 3
_BL = 512


def _merge_top5(a, b):
    r1 = jnp.maximum(a[0], b[0])
    r2 = jnp.maximum(jnp.maximum(a[1], b[1]), jnp.minimum(a[0], b[0]))
    r3 = jnp.maximum(jnp.maximum(a[2], b[2]),
                     jnp.maximum(jnp.minimum(a[0], b[1]),
                                 jnp.minimum(a[1], b[0])))
    r4 = jnp.maximum(jnp.maximum(a[3], b[3]),
                     jnp.maximum(jnp.minimum(a[0], b[2]),
                                 jnp.maximum(jnp.minimum(a[1], b[1]),
                                             jnp.minimum(a[2], b[0]))))
    r5 = jnp.maximum(jnp.maximum(a[4], b[4]),
                     jnp.maximum(
                         jnp.maximum(jnp.minimum(a[0], b[3]),
                                     jnp.minimum(a[1], b[2])),
                         jnp.maximum(jnp.minimum(a[2], b[1]),
                                     jnp.minimum(a[3], b[0]))))
    return [r1, r2, r3, r4, r5]


def _insert(ts, x):
    out = []
    for t in ts[:-1]:
        out.append(jnp.maximum(t, x))
        x = jnp.minimum(t, x)
    out.append(jnp.maximum(ts[-1], x))
    return out


def kernel(s, y, m_list, Z):
    B, D = s.shape
    S = Z.shape[2]
    sT = jnp.transpose(s)
    zT = jnp.transpose(Z, (2, 1, 0))
    rows_per_w = _NSTRIPES * _LANES
    b_sc = _NW * rows_per_w
    b_tc = B - b_sc

    mesh = plsc.VectorSubcoreMesh(core_axis_name="c", subcore_axis_name="s",
                                  num_cores=_NC, num_subcores=_NS)

    @functools.partial(
        pl.kernel,
        out_type=jax.ShapeDtypeStruct((_NW, _L), jnp.float32),
        mesh=mesh,
        scratch_types=[
            pltpu.VMEM((D,), jnp.float32),
            pltpu.VMEM((_L,), jnp.float32),
            pltpu.VMEM((D, _LANES), jnp.float32),
            pltpu.VMEM((_LANES,), jnp.int32),
            pltpu.VMEM((D, _LANES), jnp.float32),
            pltpu.VMEM((D, _LANES), jnp.float32),
        ] + [pltpu.VMEM((D, _LANES), jnp.float32) for _ in range(2 * _NDB)]
          + [pltpu.SemaphoreType.DMA] * 3,
        compiler_params=pltpu.CompilerParams(needs_layout_passes=False,
                                             use_tc_tiling_on_sc=True),
    )
    def sc_kernel(s_hbm, y_hbm, m_hbm, z_hbm, out_hbm, m_v, acc_v,
                  s_v, y_v, z3_v, z4_v,
                  za0, zb0, zc0, za1, zb1, zc1,
                  sem_a, sem_b, sem_s):
        slots = ((za0, zb0, zc0, sem_a), (za1, zb1, zc1, sem_b))
        cid = lax.axis_index("c")
        sid = lax.axis_index("s")
        wid = sid * _NC + cid
        w_base = wid * rows_per_w
        pltpu.sync_copy(m_hbm, m_v)

        def z03_copies(si, slot):
            b0 = w_base + si * _LANES
            sem = slot[3]
            return [pltpu.make_async_copy(z_hbm.at[j, :, pl.ds(b0, _LANES)],
                                          slot[j], sem) for j in range(_NDB)]

        def rest_copies(si):
            b0 = w_base + si * _LANES
            return [
                pltpu.make_async_copy(s_hbm.at[:, pl.ds(b0, _LANES)], s_v,
                                      sem_s),
                pltpu.make_async_copy(y_hbm.at[pl.ds(b0, _LANES)], y_v, sem_s),
                pltpu.make_async_copy(z_hbm.at[3, :, pl.ds(b0, _LANES)],
                                      z3_v, sem_s),
                pltpu.make_async_copy(z_hbm.at[4, :, pl.ds(b0, _LANES)],
                                      z4_v, sem_s),
            ]

        def compute_stripe(slot, acc):
            z_vs = (slot[0], slot[1], slot[2], z3_v, z4_v)

            def lg_body(lg, acc):
                l0 = lg * _L
                y_vec = y_v[pl.ds(l0, _L)]

                def step(d, ts, sy):
                    sval = s_v[d, pl.ds(l0, _L)]
                    eq = y_vec == d
                    basev = jnp.where(eq, jnp.float32(-1e10),
                                      sval * jnp.float32(500.0))
                    sy = sy + jnp.where(eq, sval, jnp.float32(0.0))
                    new = []
                    for j in range(S):
                        z = z_vs[j][d, pl.ds(l0, _L)]
                        new.extend(_insert(list(ts[j * _K:(j + 1) * _K]),
                                           basev + z))
                    return new, sy

                def dbody(i, carry):
                    ts = carry[:-1]
                    sy = carry[-1]
                    ts, sy = step(i * 2, ts, sy)
                    ts, sy = step(i * 2 + 1, ts, sy)
                    return tuple(ts) + (sy,)

                init = tuple(jnp.full((_L,), -3e38, jnp.float32)
                             for _ in range(_K * S))
                init = init + (jnp.zeros((_L,), jnp.float32),)
                res = lax.fori_loop(0, D // 2, dbody, init)
                ts, sy = res[:-1], res[-1]
                sum5 = (ts[_K - 1] + ts[2 * _K - 1] + ts[3 * _K - 1]
                        + ts[4 * _K - 1] + ts[5 * _K - 1])
                sigma = sum5 * jnp.float32(1.0 / (10.0 * S))
                mg = plsc.load_gather(m_v, [y_vec])
                s_y = (sy - mg) * jnp.float32(50.0)
                loss = jnp.maximum(jnp.float32(1.0) + sigma - s_y,
                                   jnp.float32(0.0))
                return acc + loss

            return lax.fori_loop(0, _LANES // _L, lg_body, acc)

        acc = jnp.zeros((_L,), jnp.float32)
        for c in z03_copies(0, slots[0]):
            c.start()
        for si in range(_NSTRIPES):
            slot = slots[si % 2]
            rest = rest_copies(si)
            for c in rest:
                c.start()
            if si + 1 < _NSTRIPES:
                for c in z03_copies(si + 1, slots[(si + 1) % 2]):
                    c.start()
            for c in rest:
                c.wait()
            for c in z03_copies(si, slot):
                c.wait()
            acc = compute_stripe(slot, acc)
        acc_v[...] = acc
        pltpu.sync_copy(acc_v, out_hbm.at[wid])

    def tc_body(s_ref, y_ref, m_ref, z_ref, out_ref):
        y_row = y_ref[0, :]
        sv = s_ref[...]
        dio = lax.broadcasted_iota(jnp.int32, (D, _BL), 0)
        eq = dio == y_row[None, :]
        base = jnp.where(eq, jnp.float32(-1e10), sv * jnp.float32(500.0))
        sy = jnp.sum(jnp.where(eq, sv, jnp.float32(0.0)), axis=0)
        my = jnp.sum(jnp.where(eq, m_ref[...], jnp.float32(0.0)), axis=0)
        slab_iota = lax.broadcasted_iota(jnp.int32, (8, _BL), 0)
        sigma_acc = jnp.zeros((_BL,), jnp.float32)
        for j in range(5):
            pert = base + z_ref[j]
            ts = [jnp.full((8, _BL), -3e38, jnp.float32) for _ in range(_K)]
            for k in range(D // 8):
                ts = _insert(ts, pert[k * 8:(k + 1) * 8, :])
            tail = pert[D - 8:D, :]
            tail = jnp.where(slab_iota < (8 - D % 8), jnp.float32(-3e38),
                             tail)
            ts = _insert(ts, tail)
            for sh in (4, 2, 1):
                ts = _merge_top5(ts, [pltpu.roll(t, sh, 0) for t in ts])
            sigma_acc = sigma_acc + ts[_K - 1][0, :]
        sigma = sigma_acc * jnp.float32(1.0 / 50.0)
        s_y = (sy - my) * jnp.float32(50.0)
        loss = jnp.maximum(jnp.float32(1.0) + sigma - s_y, jnp.float32(0.0))
        out_ref[...] = loss[None, :]

    y2 = y.reshape(1, B)
    m_col = m_list[:, None]
    base_blk = b_sc // _BL
    tc_losses = pl.pallas_call(
        tc_body,
        grid=(b_tc // _BL,),
        in_specs=[
            pl.BlockSpec((D, _BL), lambda i: (0, base_blk + i)),
            pl.BlockSpec((1, _BL), lambda i: (0, base_blk + i)),
            pl.BlockSpec((D, 1), lambda i: (0, 0)),
            pl.BlockSpec((5, D, _BL), lambda i: (0, 0, base_blk + i)),
        ],
        out_specs=pl.BlockSpec((1, _BL), lambda i: (0, i)),
        out_shape=jax.ShapeDtypeStruct((1, b_tc), jnp.float32),
    )(sT, y2, m_col, zT)

    partials = sc_kernel(sT, y, m_list, zT)
    return (jnp.sum(partials) + jnp.sum(tc_losses)) / jnp.float32(B)

# --- scband reference (transcript-rebuilt; emitter-appended) ---
"""Pipeline reference for scband-imbal-noised-top-k-51642686767238 (READ-ONLY COPY).

The authoritative reference and input builder live on the scoring server;
editing this copy changes nothing except your own understanding.
"""

import jax, jax.numpy as jnp
import numpy as np

K = 5
EPSILON = 0.1
MAX_M = 0.5
SCALE = 50
N_SAMPLE = 5
B = 16384
D = 100


def _noised_topk(s, k, epsilon, Z):
    # s: (B, D), Z: (B, D, n_sample)
    # perturbed scores, top-k sum over class dim, mean over noise samples
    pert = s[:, :, None] + epsilon * Z            # (B, D, S)
    pert = jnp.transpose(pert, (0, 2, 1))         # (B, S, D)
    vals, _ = jax.lax.top_k(pert, k)              # (B, S, k)
    return jnp.mean(jnp.sum(vals, axis=-1), axis=-1)  # (B,)


def setup_inputs(seed: int = 0):
    key = jax.random.key(seed)
    k1, k2, k3 = jax.random.split(key, 3)
    s = jax.random.normal(k1, (B, D), dtype=jnp.float32)
    y = jax.random.randint(k2, (B,), 0, D, dtype=jnp.int32)
    # Z is drawn inside the torch forward: torch.randn(n_batch, d, n_sample)
    Z = jax.random.normal(k3, (B, D, N_SAMPLE), dtype=jnp.float32)
    # buffer m_list computed in __init__ from cls_num_list
    cls_num_list = (np.arange(1, D + 1) * 50).astype(np.float64)
    m_list = 1.0 / np.power(cls_num_list, 0.25)
    m_list = m_list * (MAX_M / np.max(m_list))
    m_list = jnp.asarray(m_list.astype(np.float32))
    return {"s": s, "y": y, "m_list": m_list, "Z": Z}


def reference(s, y, m_list, Z):
    Bn, d = s.shape
    onehot = jax.nn.one_hot(y, d, dtype=s.dtype)           # (B, D)
    batch_m = jnp.take(m_list, y)                           # (B,) per-sample margin (LDAM-style)
    s_m = SCALE * (s - batch_m[:, None] * onehot)           # subtract margin from true-class score, then scale
    s_y = jnp.take_along_axis(s_m, y[:, None], axis=1)[:, 0]
    # exclude the true class from the top-k over wrong classes
    s_others = jnp.where(onehot > 0, jnp.float32(-1e9), s_m)
    # smoothed k-th largest wrong-class score = E[topKsum] - E[top(K-1)sum]
    phi_k = _noised_topk(s_others, K, EPSILON, Z)
    if K > 1:
        phi_km1 = _noised_topk(s_others, K - 1, EPSILON, Z)
    else:
        phi_km1 = jnp.zeros_like(phi_k)
    sigma_k = phi_k - phi_km1
    # top-K calibrated hinge with unit target margin (class margins already folded into s_m)
    loss = jax.nn.relu(1.0 + sigma_k - s_y)
    return jnp.mean(loss)

if __name__ == "__main__":
    import jax
    _d = setup_inputs()
    print(jax.jit(kernel)(*tuple(_d.values())))

</pallas_src>

<mosaic_0001>
#map = affine_map<(d0, d1) -> (0, 0)>
#map1 = affine_map<(d0, d1) -> (0)>
#map2 = affine_map<(d0, d1) -> (0, 0, 0)>
module attributes {stable_mosaic.version = 14 : i64} {
  func.func @sc_kernel(%arg0: i32, %arg1: i32, %arg2: memref<100x16384xf32, #tpu.memory_space<hbm>>, %arg3: memref<16384xi32, #tpu.memory_space<hbm>>, %arg4: memref<100xf32, #tpu.memory_space<hbm>>, %arg5: memref<5x100x16384xf32, #tpu.memory_space<hbm>>, %arg6: memref<32x16xf32, #tpu.memory_space<hbm>>, %arg7: memref<100xf32, #tpu.memory_space<vmem>>, %arg8: memref<16xf32, #tpu.memory_space<vmem>>, %arg9: memref<100x128xf32, #tpu.memory_space<vmem>>, %arg10: memref<128xi32, #tpu.memory_space<vmem>>, %arg11: memref<100x128xf32, #tpu.memory_space<vmem>>, %arg12: memref<100x128xf32, #tpu.memory_space<vmem>>, %arg13: memref<100x128xf32, #tpu.memory_space<vmem>>, %arg14: memref<100x128xf32, #tpu.memory_space<vmem>>, %arg15: memref<100x128xf32, #tpu.memory_space<vmem>>, %arg16: memref<100x128xf32, #tpu.memory_space<vmem>>, %arg17: memref<100x128xf32, #tpu.memory_space<vmem>>, %arg18: memref<100x128xf32, #tpu.memory_space<vmem>>, %arg19: memref<!tpu.dma_semaphore, #tpu.memory_space<semaphore_mem>>, %arg20: memref<!tpu.dma_semaphore, #tpu.memory_space<semaphore_mem>>, %arg21: memref<!tpu.dma_semaphore, #tpu.memory_space<semaphore_mem>>) attributes {dimension_semantics = [#tpu.dimension_semantics<core_parallel>, #tpu.dimension_semantics<subcore_parallel>], iteration_bounds = array<i64: 2, 16>, scalar_prefetch = 0 : i64, scratch_operands = 15 : i64, tpu.core_type = #tpu.core_type<sc_vector_subcore>, window_params = [{transform_indices = #map}, {transform_indices = #map1}, {transform_indices = #map1}, {transform_indices = #map2}, {transform_indices = #map}]} {
    %mul3A = arith.constant 2 : i32
    %mul3A_0 = arith.muli %arg1, %mul3A : i32
    %add3A = arith.addi %mul3A_0, %arg0 : i32
    %mul3A_1 = arith.constant 128 : i32
    %mul3A_2 = arith.muli %add3A, %mul3A_1 : i32
    "tpu.region"() ({
      %run_scoped3A = tpu.sem_alloc : memref<!tpu.dma_semaphore, #tpu.memory_space<semaphore_mem>>
      tpu.enqueue_dma source(%arg4 : memref<100xf32, #tpu.memory_space<hbm>>) target(%arg7 : memref<100xf32, #tpu.memory_space<vmem>>) target_semaphore(%run_scoped3A : memref<!tpu.dma_semaphore, #tpu.memory_space<semaphore_mem>>)
      tpu.wait_dma2 semaphore(%run_scoped3A : memref<!tpu.dma_semaphore, #tpu.memory_space<semaphore_mem>>) src(%arg4 : memref<100xf32, #tpu.memory_space<hbm>>) dst(%arg7 : memref<100xf32, #tpu.memory_space<vmem>>)
      tpu.yield
    }) : () -> ()
    %broadcast_in_dim3A = arith.constant 0.000000e+00 : f32
    %broadcast_in_dim3A_3 = vector.broadcast %broadcast_in_dim3A : f32 to vector<16xf32>
    %add3A_4 = arith.constant 0 : i32
    %add3A_5 = arith.addi %mul3A_2, %add3A_4 : i32
    %dma_start3A = arith.constant 0 : i32
    %dma_start3A_6 = arith.constant 0 : i32
    %dma_start3A_7 = tpu.memref_slice %arg5[%dma_start3A, %dma_start3A_6, %add3A_5] : memref<5x100x16384xf32, #tpu.memory_space<hbm>> -> memref<1x100x128xf32, #tpu.memory_space<hbm>>
    %dma_start3A_8 = tpu.memref_squeeze %dma_start3A_7 : memref<1x100x128xf32, #tpu.memory_space<hbm>> -> memref<100x128xf32, #tpu.memory_space<hbm>>
    %dma_start3A_9 = arith.constant 0 : i32
    %dma_start3A_10 = tpu.memref_slice %arg5[%dma_start3A, %dma_start3A_9, %add3A_5] : memref<5x100x16384xf32, #tpu.memory_space<hbm>> -> memref<1x100x128xf32, #tpu.memory_space<hbm>>
    %dma_start3A_11 = tpu.memref_squeeze %dma_start3A_10 : memref<1x100x128xf32, #tpu.memory_space<hbm>> -> memref<100x128xf32, #tpu.memory_space<hbm>>
    tpu.enqueue_dma source(%dma_start3A_11 : memref<100x128xf32, #tpu.memory_space<hbm>>) target(%arg13 : memref<100x128xf32, #tpu.memory_space<vmem>>) target_semaphore(%arg19 : memref<!tpu.dma_semaphore, #tpu.memory_space<semaphore_mem>>)
    %dma_start3A_12 = arith.constant 1 : i32
    %dma_start3A_13 = arith.constant 0 : i32
    %dma_start3A_14 = tpu.memref_slice %arg5[%dma_start3A_12, %dma_start3A_13, %add3A_5] : memref<5x100x16384xf32, #tpu.memory_space<hbm>> -> memref<1x100x128xf32, #tpu.memory_space<hbm>>
    %dma_start3A_15 = tpu.memref_squeeze %dma_start3A_14 : memref<1x100x128xf32, #tpu.memory_space<hbm>> -> memref<100x128xf32, #tpu.memory_space<hbm>>
    %dma_start3A_16 = arith.constant 0 : i32
    %dma_start3A_17 = tpu.memref_slice %arg5[%dma_start3A_12, %dma_start3A_16, %add3A_5] : memref<5x100x16384xf32, #tpu.memory_space<hbm>> -> memref<1x100x128xf32, #tpu.memory_space<hbm>>
    %dma_start3A_18 = tpu.memref_squeeze %dma_start3A_17 : memref<1x100x128xf32, #tpu.memory_space<hbm>> -> memref<100x128xf32, #tpu.memory_space<hbm>>
    tpu.enqueue_dma source(%dma_start3A_18 : memref<100x128xf32, #tpu.memory_space<hbm>>) target(%arg14 : memref<100x128xf32, #tpu.memory_space<vmem>>) target_semaphore(%arg19 : memref<!tpu.dma_semaphore, #tpu.memory_space<semaphore_mem>>)
    %dma_start3A_19 = arith.constant 2 : i32
    %dma_start3A_20 = arith.constant 0 : i32
    %dma_start3A_21 = tpu.memref_slice %arg5[%dma_start3A_19, %dma_start3A_20, %add3A_5] : memref<5x100x16384xf32, #tpu.memory_space<hbm>> -> memref<1x100x128xf32, #tpu.memory_space<hbm>>
    %dma_start3A_22 = tpu.memref_squeeze %dma_start3A_21 : memref<1x100x128xf32, #tpu.memory_space<hbm>> -> memref<100x128xf32, #tpu.memory_space<hbm>>
    %dma_start3A_23 = arith.constant 0 : i32
    %dma_start3A_24 = tpu.memref_slice %arg5[%dma_start3A_19, %dma_start3A_23, %add3A_5] : memref<5x100x16384xf32, #tpu.memory_space<hbm>> -> memref<1x100x128xf32, #tpu.memory_space<hbm>>
    %dma_start3A_25 = tpu.memref_squeeze %dma_start3A_24 : memref<1x100x128xf32, #tpu.memory_space<hbm>> -> memref<100x128xf32, #tpu.memory_space<hbm>>
    tpu.enqueue_dma source(%dma_start3A_25 : memref<100x128xf32, #tpu.memory_space<hbm>>) target(%arg15 : memref<100x128xf32, #tpu.memory_space<vmem>>) target_semaphore(%arg19 : memref<!tpu.dma_semaphore, #tpu.memory_space<semaphore_mem>>)
    %add3A_26 = arith.constant 0 : i32
    %add3A_27 = arith.addi %mul3A_2, %add3A_26 : i32
    %dma_start3A_28 = arith.constant 0 : i32
    %dma_start3A_29 = tpu.memref_slice %arg2[%dma_start3A_28, %add3A_27] : memref<100x16384xf32, #tpu.memory_space<hbm>> -> memref<100x128xf32, #tpu.memory_space<hbm>>
    %dma_start3A_30 = arith.constant 0 : i32
    %dma_start3A_31 = tpu.memref_slice %arg2[%dma_start3A_30, %add3A_27] : memref<100x16384xf32, #tpu.memory_space<hbm>> -> memref<100x128xf32, #tpu.memory_space<hbm>>
    tpu.enqueue_dma source(%dma_start3A_31 : memref<100x128xf32, #tpu.memory_space<hbm>>) target(%arg9 : memref<100x128xf32, #tpu.memory_space<vmem>>) target_semaphore(%arg21 : memref<!tpu.dma_semaphore, #tpu.memory_space<semaphore_mem>>)
    %dma_start3A_32 = tpu.memref_slice %arg3[%add3A_27] : memref<16384xi32, #tpu.memory_space<hbm>> -> memref<128xi32, #tpu.memory_space<hbm>>
    %dma_start3A_33 = tpu.memref_slice %arg3[%add3A_27] : memref<16384xi32, #tpu.memory_space<hbm>> -> memref<128xi32, #tpu.memory_space<hbm>>
    tpu.enqueue_dma source(%dma_start3A_33 : memref<128xi32, #tpu.memory_space<hbm>>) target(%arg10 : memref<128xi32, #tpu.memory_space<vmem>>) target_semaphore(%arg21 : memref<!tpu.dma_semaphore, #tpu.memory_space<semaphore_mem>>)
    %dma_start3A_34 = arith.constant 3 : i32
    %dma_start3A_35 = arith.constant 0 : i32
    %dma_start3A_36 = tpu.memref_slice %arg5[%dma_start3A_34, %dma_start3A_35, %add3A_27] : memref<5x100x16384xf32, #tpu.memory_space<hbm>> -> memref<1x100x128xf32, #tpu.memory_space<hbm>>
    %dma_start3A_37 = tpu.memref_squeeze %dma_start3A_36 : memref<1x100x128xf32, #tpu.memory_space<hbm>> -> memref<100x128xf32, #tpu.memory_space<hbm>>
    %dma_start3A_38 = arith.constant 0 : i32
    %dma_start3A_39 = tpu.memref_slice %arg5[%dma_start3A_34, %dma_start3A_38, %add3A_27] : memref<5x100x16384xf32, #tpu.memory_space<hbm>> -> memref<1x100x128xf32, #tpu.memory_space<hbm>>
    %dma_start3A_40 = tpu.memref_squeeze %dma_start3A_39 : memref<1x100x128xf32, #tpu.memory_space<hbm>> -> memref<100x128xf32, #tpu.memory_space<hbm>>
    tpu.enqueue_dma source(%dma_start3A_40 : memref<100x128xf32, #tpu.memory_space<hbm>>) target(%arg11 : memref<100x128xf32, #tpu.memory_space<vmem>>) target_semaphore(%arg21 : memref<!tpu.dma_semaphore, #tpu.memory_space<semaphore_mem>>)
    %dma_start3A_41 = arith.constant 4 : i32
    %dma_start3A_42 = arith.constant 0 : i32
    %dma_start3A_43 = tpu.memref_slice %arg5[%dma_start3A_41, %dma_start3A_42, %add3A_27] : memref<5x100x16384xf32, #tpu.memory_space<hbm>> -> memref<1x100x128xf32, #tpu.memory_space<hbm>>
    %dma_start3A_44 = tpu.memref_squeeze %dma_start3A_43 : memref<1x100x128xf32, #tpu.memory_space<hbm>> -> memref<100x128xf32, #tpu.memory_space<hbm>>
    %dma_start3A_45 = arith.constant 0 : i32
    %dma_start3A_46 = tpu.memref_slice %arg5[%dma_start3A_41, %dma_start3A_45, %add3A_27] : memref<5x100x16384xf32, #tpu.memory_space<hbm>> -> memref<1x100x128xf32, #tpu.memory_space<hbm>>
    %dma_start3A_47 = tpu.memref_squeeze %dma_start3A_46 : memref<1x100x128xf32, #tpu.memory_space<hbm>> -> memref<100x128xf32, #tpu.memory_space<hbm>>
    tpu.enqueue_dma source(%dma_start3A_47 : memref<100x128xf32, #tpu.memory_space<hbm>>) target(%arg12 : memref<100x128xf32, #tpu.memory_space<vmem>>) target_semaphore(%arg21 : memref<!tpu.dma_semaphore, #tpu.memory_space<semaphore_mem>>)
    %dma_wait3A = arith.constant 0 : i32
    %dma_wait3A_48 = tpu.memref_slice %arg2[%dma_wait3A, %add3A_27] : memref<100x16384xf32, #tpu.memory_space<hbm>> -> memref<100x128xf32, #tpu.memory_space<hbm>>
    %dma_wait3A_49 = arith.constant 0 : i32
    %dma_wait3A_50 = tpu.memref_slice %arg2[%dma_wait3A_49, %add3A_27] : memref<100x16384xf32, #tpu.memory_space<hbm>> -> memref<100x128xf32, #tpu.memory_space<hbm>>
    tpu.wait_dma2 semaphore(%arg21 : memref<!tpu.dma_semaphore, #tpu.memory_space<semaphore_mem>>) src(%dma_wait3A_50 : memref<100x128xf32, #tpu.memory_space<hbm>>) dst(%arg9 : memref<100x128xf32, #tpu.memory_space<vmem>>)
    %dma_wait3A_51 = tpu.memref_slice %arg3[%add3A_27] : memref<16384xi32, #tpu.memory_space<hbm>> -> memref<128xi32, #tpu.memory_space<hbm>>
    %dma_wait3A_52 = tpu.memref_slice %arg3[%add3A_27] : memref<16384xi32, #tpu.memory_space<hbm>> -> memref<128xi32, #tpu.memory_space<hbm>>
    tpu.wait_dma2 semaphore(%arg21 : memref<!tpu.dma_semaphore, #tpu.memory_space<semaphore_mem>>) src(%dma_wait3A_52 : memref<128xi32, #tpu.memory_space<hbm>>) dst(%arg10 : memref<128xi32, #tpu.memory_space<vmem>>)
    %dma_wait3A_53 = arith.constant 3 : i32
    %dma_wait3A_54 = arith.constant 0 : i32
    %dma_wait3A_55 = tpu.memref_slice %arg5[%dma_wait3A_53, %dma_wait3A_54, %add3A_27] : memref<5x100x16384xf32, #tpu.memory_space<hbm>> -> memref<1x100x128xf32, #tpu.memory_space<hbm>>
    %dma_wait3A_56 = tpu.memref_squeeze %dma_wait3A_55 : memref<1x100x128xf32, #tpu.memory_space<hbm>> -> memref<100x128xf32, #tpu.memory_space<hbm>>
    %dma_wait3A_57 = arith.constant 0 : i32
    %dma_wait3A_58 = tpu.memref_slice %arg5[%dma_wait3A_53, %dma_wait3A_57, %add3A_27] : memref<5x100x16384xf32, #tpu.memory_space<hbm>> -> memref<1x100x128xf32, #tpu.memory_space<hbm>>
    %dma_wait3A_59 = tpu.memref_squeeze %dma_wait3A_58 : memref<1x100x128xf32, #tpu.memory_space<hbm>> -> memref<100x128xf32, #tpu.memory_space<hbm>>
    tpu.wait_dma2 semaphore(%arg21 : memref<!tpu.dma_semaphore, #tpu.memory_space<semaphore_mem>>) src(%dma_wait3A_59 : memref<100x128xf32, #tpu.memory_space<hbm>>) dst(%arg11 : memref<100x128xf32, #tpu.memory_space<vmem>>)
    %dma_wait3A_60 = arith.constant 4 : i32
    %dma_wait3A_61 = arith.constant 0 : i32
    %dma_wait3A_62 = tpu.memref_slice %arg5[%dma_wait3A_60, %dma_wait3A_61, %add3A_27] : memref<5x100x16384xf32, #tpu.memory_space<hbm>> -> memref<1x100x128xf32, #tpu.memory_space<hbm>>
    %dma_wait3A_63 = tpu.memref_squeeze %dma_wait3A_62 : memref<1x100x128xf32, #tpu.memory_space<hbm>> -> memref<100x128xf32, #tpu.memory_space<hbm>>
    %dma_wait3A_64 = arith.constant 0 : i32
    %dma_wait3A_65 = tpu.memref_slice %arg5[%dma_wait3A_60, %dma_wait3A_64, %add3A_27] : memref<5x100x16384xf32, #tpu.memory_space<hbm>> -> memref<1x100x128xf32, #tpu.memory_space<hbm>>
    %dma_wait3A_66 = tpu.memref_squeeze %dma_wait3A_65 : memref<1x100x128xf32, #tpu.memory_space<hbm>> -> memref<100x128xf32, #tpu.memory_space<hbm>>
    tpu.wait_dma2 semaphore(%arg21 : memref<!tpu.dma_semaphore, #tpu.memory_space<semaphore_mem>>) src(%dma_wait3A_66 : memref<100x128xf32, #tpu.memory_space<hbm>>) dst(%arg12 : memref<100x128xf32, #tpu.memory_space<vmem>>)
    %add3A_67 = arith.constant 0 : i32
    %add3A_68 = arith.addi %mul3A_2, %add3A_67 : i32
    %dma_wait3A_69 = arith.constant 0 : i32
    %dma_wait3A_70 = arith.constant 0 : i32
    %dma_wait3A_71 = tpu.memref_slice %arg5[%dma_wait3A_69, %dma_wait3A_70, %add3A_68] : memref<5x100x16384xf32, #tpu.memory_space<hbm>> -> memref<1x100x128xf32, #tpu.memory_space<hbm>>
    %dma_wait3A_72 = tpu.memref_squeeze %dma_wait3A_71 : memref<1x100x128xf32, #tpu.memory_space<hbm>> -> memref<100x128xf32, #tpu.memory_space<hbm>>
    %dma_wait3A_73 = arith.constant 0 : i32
    %dma_wait3A_74 = tpu.memref_slice %arg5[%dma_wait3A_69, %dma_wait3A_73, %add3A_68] : memref<5x100x16384xf32, #tpu.memory_space<hbm>> -> memref<1x100x128xf32, #tpu.memory_space<hbm>>
    %dma_wait3A_75 = tpu.memref_squeeze %dma_wait3A_74 : memref<1x100x128xf32, #tpu.memory_space<hbm>> -> memref<100x128xf32, #tpu.memory_space<hbm>>
    tpu.wait_dma2 semaphore(%arg19 : memref<!tpu.dma_semaphore, #tpu.memory_space<semaphore_mem>>) src(%dma_wait3A_75 : memref<100x128xf32, #tpu.memory_space<hbm>>) dst(%arg13 : memref<100x128xf32, #tpu.memory_space<vmem>>)
    %dma_wait3A_76 = arith.constant 1 : i32
    %dma_wait3A_77 = arith.constant 0 : i32
    %dma_wait3A_78 = tpu.memref_slice %arg5[%dma_wait3A_76, %dma_wait3A_77, %add3A_68] : memref<5x100x16384xf32, #tpu.memory_space<hbm>> -> memref<1x100x128xf32, #tpu.memory_space<hbm>>
    %dma_wait3A_79 = tpu.memref_squeeze %dma_wait3A_78 : memref<1x100x128xf32, #tpu.memory_space<hbm>> -> memref<100x128xf32, #tpu.memory_space<hbm>>
    %dma_wait3A_80 = arith.constant 0 : i32
    %dma_wait3A_81 = tpu.memref_slice %arg5[%dma_wait3A_76, %dma_wait3A_80, %add3A_68] : memref<5x100x16384xf32, #tpu.memory_space<hbm>> -> memref<1x100x128xf32, #tpu.memory_space<hbm>>
    %dma_wait3A_82 = tpu.memref_squeeze %dma_wait3A_81 : memref<1x100x128xf32, #tpu.memory_space<hbm>> -> memref<100x128xf32, #tpu.memory_space<hbm>>
    tpu.wait_dma2 semaphore(%arg19 : memref<!tpu.dma_semaphore, #tpu.memory_space<semaphore_mem>>) src(%dma_wait3A_82 : memref<100x128xf32, #tpu.memory_space<hbm>>) dst(%arg14 : memref<100x128xf32, #tpu.memory_space<vmem>>)
    %dma_wait3A_83 = arith.constant 2 : i32
    %dma_wait3A_84 = arith.constant 0 : i32
    %dma_wait3A_85 = tpu.memref_slice %arg5[%dma_wait3A_83, %dma_wait3A_84, %add3A_68] : memref<5x100x16384xf32, #tpu.memory_space<hbm>> -> memref<1x100x128xf32, #tpu.memory_space<hbm>>
    %dma_wait3A_86 = tpu.memref_squeeze %dma_wait3A_85 : memref<1x100x128xf32, #tpu.memory_space<hbm>> -> memref<100x128xf32, #tpu.memory_space<hbm>>
    %dma_wait3A_87 = arith.constant 0 : i32
    %dma_wait3A_88 = tpu.memref_slice %arg5[%dma_wait3A_83, %dma_wait3A_87, %add3A_68] : memref<5x100x16384xf32, #tpu.memory_space<hbm>> -> memref<1x100x128xf32, #tpu.memory_space<hbm>>
    %dma_wait3A_89 = tpu.memref_squeeze %dma_wait3A_88 : memref<1x100x128xf32, #tpu.memory_space<hbm>> -> memref<100x128xf32, #tpu.memory_space<hbm>>
    tpu.wait_dma2 semaphore(%arg19 : memref<!tpu.dma_semaphore, #tpu.memory_space<semaphore_mem>>) src(%dma_wait3A_89 : memref<100x128xf32, #tpu.memory_space<hbm>>) dst(%arg15 : memref<100x128xf32, #tpu.memory_space<vmem>>)
    %scan3A = arith.constant 0 : i32
    %scan3A_90 = arith.constant 8 : i32
    %scan3A_91 = arith.addi %scan3A, %scan3A_90 : i32
    %scan3A_92 = arith.constant 1 : i32
    %scan3A_93 = scf.for %scan3A_96 = %scan3A to %scan3A_91 step %scan3A_92 iter_args(%scan3A_97 = %broadcast_in_dim3A_3) -> (vector<16xf32>)  : i32 {
      %mul3A_98 = arith.constant 16 : i32
      %mul3A_99 = arith.muli %scan3A_96, %mul3A_98 : i32
      %get3A = arith.index_cast %mul3A_99 : i32 to index
      %get3A_100 = tpu.vector_load %arg10[%get3A] {strides = array<i32>} : memref<128xi32, #tpu.memory_space<vmem>>, vector<16xi32>,
      %broadcast_in_dim3A_101 = arith.constant -3.000000e+38 : f32
      %broadcast_in_dim3A_102 = vector.broadcast %broadcast_in_dim3A_101 : f32 to vector<16xf32>
      %broadcast_in_dim3A_103 = arith.constant -3.000000e+38 : f32
      %broadcast_in_dim3A_104 = vector.broadcast %broadcast_in_dim3A_103 : f32 to vector<16xf32>
      %broadcast_in_dim3A_105 = arith.constant -3.000000e+38 : f32
      %broadcast_in_dim3A_106 = vector.broadcast %broadcast_in_dim3A_105 : f32 to vector<16xf32>
      %broadcast_in_dim3A_107 = arith.constant -3.000000e+38 : f32
      %broadcast_in_dim3A_108 = vector.broadcast %broadcast_in_dim3A_107 : f32 to vector<16xf32>
      %broadcast_in_dim3A_109 = arith.constant -3.000000e+38 : f32
      %broadcast_in_dim3A_110 = vector.broadcast %broadcast_in_dim3A_109 : f32 to vector<16xf32>
      %broadcast_in_dim3A_111 = arith.constant -3.000000e+38 : f32
      %broadcast_in_dim3A_112 = vector.broadcast %broadcast_in_dim3A_111 : f32 to vector<16xf32>
      %broadcast_in_dim3A_113 = arith.constant -3.000000e+38 : f32
      %broadcast_in_dim3A_114 = vector.broadcast %broadcast_in_dim3A_113 : f32 to vector<16xf32>
      %broadcast_in_dim3A_115 = arith.constant -3.000000e+38 : f32
      %broadcast_in_dim3A_116 = vector.broadcast %broadcast_in_dim3A_115 : f32 to vector<16xf32>
      %broadcast_in_dim3A_117 = arith.constant -3.000000e+38 : f32
      %broadcast_in_dim3A_118 = vector.broadcast %broadcast_in_dim3A_117 : f32 to vector<16xf32>
      %broadcast_in_dim3A_119 = arith.constant -3.000000e+38 : f32
      %broadcast_in_dim3A_120 = vector.broadcast %broadcast_in_dim3A_119 : f32 to vector<16xf32>
      %broadcast_in_dim3A_121 = arith.constant -3.000000e+38 : f32
      %broadcast_in_dim3A_122 = vector.broadcast %broadcast_in_dim3A_121 : f32 to vector<16xf32>
      %broadcast_in_dim3A_123 = arith.constant -3.000000e+38 : f32
      %broadcast_in_dim3A_124 = vector.broadcast %broadcast_in_dim3A_123 : f32 to vector<16xf32>
      %broadcast_in_dim3A_125 = arith.constant -3.000000e+38 : f32
      %broadcast_in_dim3A_126 = vector.broadcast %broadcast_in_dim3A_125 : f32 to vector<16xf32>
      %broadcast_in_dim3A_127 = arith.constant -3.000000e+38 : f32
      %broadcast_in_dim3A_128 = vector.broadcast %broadcast_in_dim3A_127 : f32 to vector<16xf32>
      %broadcast_in_dim3A_129 = arith.constant -3.000000e+38 : f32
      %broadcast_in_dim3A_130 = vector.broadcast %broadcast_in_dim3A_129 : f32 to vector<16xf32>
      %broadcast_in_dim3A_131 = arith.constant -3.000000e+38 : f32
      %broadcast_in_dim3A_132 = vector.broadcast %broadcast_in_dim3A_131 : f32 to vector<16xf32>
      %broadcast_in_dim3A_133 = arith.constant -3.000000e+38 : f32
      %broadcast_in_dim3A_134 = vector.broadcast %broadcast_in_dim3A_133 : f32 to vector<16xf32>
      %broadcast_in_dim3A_135 = arith.constant -3.000000e+38 : f32
      %broadcast_in_dim3A_136 = vector.broadcast %broadcast_in_dim3A_135 : f32 to vector<16xf32>
      %broadcast_in_dim3A_137 = arith.constant -3.000000e+38 : f32
      %broadcast_in_dim3A_138 = vector.broadcast %broadcast_in_dim3A_137 : f32 to vector<16xf32>
      %broadcast_in_dim3A_139 = arith.constant -3.000000e+38 : f32
      %broadcast_in_dim3A_140 = vector.broadcast %broadcast_in_dim3A_139 : f32 to vector<16xf32>
      %broadcast_in_dim3A_141 = arith.constant -3.000000e+38 : f32
      %broadcast_in_dim3A_142 = vector.broadcast %broadcast_in_dim3A_141 : f32 to vector<16xf32>
      %broadcast_in_dim3A_143 = arith.constant -3.000000e+38 : f32
      %broadcast_in_dim3A_144 = vector.broadcast %broadcast_in_dim3A_143 : f32 to vector<16xf32>
      %broadcast_in_dim3A_145 = arith.constant -3.000000e+38 : f32
      %broadcast_in_dim3A_146 = vector.broadcast %broadcast_in_dim3A_145 : f32 to vector<16xf32>
      %broadcast_in_dim3A_147 = arith.constant -3.000000e+38 : f32
      %broadcast_in_dim3A_148 = vector.broadcast %broadcast_in_dim3A_147 : f32 to vector<16xf32>
      %broadcast_in_dim3A_149 = arith.constant -3.000000e+38 : f32
      %broadcast_in_dim3A_150 = vector.broadcast %broadcast_in_dim3A_149 : f32 to vector<16xf32>
      %broadcast_in_dim3A_151 = arith.constant 0.000000e+00 : f32
      %broadcast_in_dim3A_152 = vector.broadcast %broadcast_in_dim3A_151 : f32 to vector<16xf32>
      %scan3A_153 = arith.constant 0 : i32
      %scan3A_154 = arith.constant 50 : i32
      %scan3A_155 = arith.addi %scan3A_153, %scan3A_154 : i32
      %scan3A_156 = arith.constant 1 : i32
      %scan3A_157:26 = scf.for %scan3A_176 = %scan3A_153 to %scan3A_155 step %scan3A_156 iter_args(%scan3A_177 = %broadcast_in_dim3A_102, %scan3A_178 = %broadcast_in_dim3A_104, %scan3A_179 = %broadcast_in_dim3A_106, %scan3A_180 = %broadcast_in_dim3A_108, %scan3A_181 = %broadcast_in_dim3A_110, %scan3A_182 = %broadcast_in_dim3A_112, %scan3A_183 = %broadcast_in_dim3A_114, %scan3A_184 = %broadcast_in_dim3A_116, %scan3A_185 = %broadcast_in_dim3A_118, %scan3A_186 = %broadcast_in_dim3A_120, %scan3A_187 = %broadcast_in_dim3A_122, %scan3A_188 = %broadcast_in_dim3A_124, %scan3A_189 = %broadcast_in_dim3A_126, %scan3A_190 = %broadcast_in_dim3A_128, %scan3A_191 = %broadcast_in_dim3A_130, %scan3A_192 = %broadcast_in_dim3A_132, %scan3A_193 = %broadcast_in_dim3A_134, %scan3A_194 = %broadcast_in_dim3A_136, %scan3A_195 = %broadcast_in_dim3A_138, %scan3A_196 = %broadcast_in_dim3A_140, %scan3A_197 = %broadcast_in_dim3A_142, %scan3A_198 = %broadcast_in_dim3A_144, %scan3A_199 = %broadcast_in_dim3A_146, %scan3A_200 = %broadcast_in_dim3A_148, %scan3A_201 = %broadcast_in_dim3A_150, %scan3A_202 = %broadcast_in_dim3A_152) -> (vector<16xf32>, vector<16xf32>, vector<16xf32>, vector<16xf32>, vector<16xf32>, vector<16xf32>, vector<16xf32>, vector<16xf32>, vector<16xf32>, vector<16xf32>, vector<16xf32>, vector<16xf32>, vector<16xf32>, vector<16xf32>, vector<16xf32>, vector<16xf32>, vector<16xf32>, vector<16xf32>, vector<16xf32>, vector<16xf32>, vector<16xf32>, vector<16xf32>, vector<16xf32>, vector<16xf32>, vector<16xf32>, vector<16xf32>)  : i32 {
        %mul3A_203 = arith.constant 2 : i32
        %mul3A_204 = arith.muli %scan3A_176, %mul3A_203 : i32
        %get3A_205 = arith.index_cast %mul3A_204 : i32 to index
        %get3A_206 = arith.index_cast %mul3A_99 : i32 to index
        %get3A_207 = tpu.vector_load %arg9[%get3A_205, %get3A_206] {strides = array<i32>} : memref<100x128xf32, #tpu.memory_space<vmem>>, vector<16xf32>,
        %eq3A = vector.broadcast %mul3A_204 : i32 to vector<16xi32>
        %eq3A_208 = arith.cmpi eq, %get3A_100, %eq3A : vector<16xi32>
        %mul3A_209 = arith.constant 5.000000e+02 : f32
        %mul3A_210 = vector.broadcast %mul3A_209 : f32 to vector<16xf32>
        %mul3A_211 = arith.mulf %get3A_207, %mul3A_210 : vector<16xf32>
        %jit3A = arith.constant -1.000000e+10 : f32
        %broadcast_in_dim3A_212 = vector.broadcast %jit3A : f32 to vector<16xf32>
        %select_n3A = arith.select %eq3A_208, %broadcast_in_dim3A_212, %mul3A_211 : vector<16xi1>, vector<16xf32>
        %jit3A_213 = arith.constant 0.000000e+00 : f32
        %broadcast_in_dim3A_214 = vector.broadcast %jit3A_213 : f32 to vector<16xf32>
        %select_n3A_215 = arith.select %eq3A_208, %get3A_207, %broadcast_in_dim3A_214 : vector<16xi1>, vector<16xf32>
        %add3A_216 = arith.addf %scan3A_202, %select_n3A_215 : vector<16xf32>
        %get3A_217 = arith.index_cast %mul3A_204 : i32 to index
        %get3A_218 = arith.index_cast %mul3A_99 : i32 to index
        %get3A_219 = tpu.vector_load %arg13[%get3A_217, %get3A_218] {strides = array<i32>} : memref<100x128xf32, #tpu.memory_space<vmem>>, vector<16xf32>,
        %add3A_220 = arith.addf %select_n3A, %get3A_219 : vector<16xf32>
        %max3A_221 = arith.maximumf %scan3A_177, %add3A_220 : vector<16xf32>
        %min3A = arith.minimumf %scan3A_177, %add3A_220 : vector<16xf32>
        %max3A_222 = arith.maximumf %scan3A_178, %min3A : vector<16xf32>
        %min3A_223 = arith.minimumf %scan3A_178, %min3A : vector<16xf32>
        %max3A_224 = arith.maximumf %scan3A_179, %min3A_223 : vector<16xf32>
        %min3A_225 = arith.minimumf %scan3A_179, %min3A_223 : vector<16xf32>
        %max3A_226 = arith.maximumf %scan3A_180, %min3A_225 : vector<16xf32>
        %min3A_227 = arith.minimumf %scan3A_180, %min3A_225 : vector<16xf32>
        %max3A_228 = arith.maximumf %scan3A_181, %min3A_227 : vector<16xf32>
        %get3A_229 = arith.index_cast %mul3A_204 : i32 to index
        %get3A_230 = arith.index_cast %mul3A_99 : i32 to index
        %get3A_231 = tpu.vector_load %arg14[%get3A_229, %get3A_230] {strides = array<i32>} : memref<100x128xf32, #tpu.memory_space<vmem>>, vector<16xf32>,
        %add3A_232 = arith.addf %select_n3A, %get3A_231 : vector<16xf32>
        %max3A_233 = arith.maximumf %scan3A_182, %add3A_232 : vector<16xf32>
        %min3A_234 = arith.minimumf %scan3A_182, %add3A_232 : vector<16xf32>
        %max3A_235 = arith.maximumf %scan3A_183, %min3A_234 : vector<16xf32>
        %min3A_236 = arith.minimumf %scan3A_183, %min3A_234 : vector<16xf32>
        %max3A_237 = arith.maximumf %scan3A_184, %min3A_236 : vector<16xf32>
        %min3A_238 = arith.minimumf %scan3A_184, %min3A_236 : vector<16xf32>
        %max3A_239 = arith.maximumf %scan3A_185, %min3A_238 : vector<16xf32>
        %min3A_240 = arith.minimumf %scan3A_185, %min3A_238 : vector<16xf32>
        %max3A_241 = arith.maximumf %scan3A_186, %min3A_240 : vector<16xf32>
        %get3A_242 = arith.index_cast %mul3A_204 : i32 to index
        %get3A_243 = arith.index_cast %mul3A_99 : i32 to index
        %get3A_244 = tpu.vector_load %arg15[%get3A_242, %get3A_243] {strides = array<i32>} : memref<100x128xf32, #tpu.memory_space<vmem>>, vector<16xf32>,
        %add3A_245 = arith.addf %select_n3A, %get3A_244 : vector<16xf32>
        %max3A_246 = arith.maximumf %scan3A_187, %add3A_245 : vector<16xf32>
        %min3A_247 = arith.minimumf %scan3A_187, %add3A_245 : vector<16xf32>
        %max3A_248 = arith.maximumf %scan3A_188, %min3A_247 : vector<16xf32>
        %min3A_249 = arith.minimumf %scan3A_188, %min3A_247 : vector<16xf32>
        %max3A_250 = arith.maximumf %scan3A_189, %min3A_249 : vector<16xf32>
        %min3A_251 = arith.minimumf %scan3A_189, %min3A_249 : vector<16xf32>
        %max3A_252 = arith.maximumf %scan3A_190, %min3A_251 : vector<16xf32>
        %min3A_253 = arith.minimumf %scan3A_190, %min3A_251 : vector<16xf32>
        %max3A_254 = arith.maximumf %scan3A_191, %min3A_253 : vector<16xf32>
        %get3A_255 = arith.index_cast %mul3A_204 : i32 to index
        %get3A_256 = arith.index_cast %mul3A_99 : i32 to index
        %get3A_257 = tpu.vector_load %arg11[%get3A_255, %get3A_256] {strides = array<i32>} : memref<100x128xf32, #tpu.memory_space<vmem>>, vector<16xf32>,
        %add3A_258 = arith.addf %select_n3A, %get3A_257 : vector<16xf32>
        %max3A_259 = arith.maximumf %scan3A_192, %add3A_258 : vector<16xf32>
        %min3A_260 = arith.minimumf %scan3A_192, %add3A_258 : vector<16xf32>
        %max3A_261 = arith.maximumf %scan3A_193, %min3A_260 : vector<16xf32>
        %min3A_262 = arith.minimumf %scan3A_193, %min3A_260 : vector<16xf32>
        %max3A_263 = arith.maximumf %scan3A_194, %min3A_262 : vector<16xf32>
        %min3A_264 = arith.minimumf %scan3A_194, %min3A_262 : vector<16xf32>
        %max3A_265 = arith.maximumf %scan3A_195, %min3A_264 : vector<16xf32>
        %min3A_266 = arith.minimumf %scan3A_195, %min3A_264 : vector<16xf32>
        %max3A_267 = arith.maximumf %scan3A_196, %min3A_266 : vector<16xf32>
        %get3A_268 = arith.index_cast %mul3A_204 : i32 to index
        %get3A_269 = arith.index_cast %mul3A_99 : i32 to index
        %get3A_270 = tpu.vector_load %arg12[%get3A_268, %get3A_269] {strides = array<i32>} : memref<100x128xf32, #tpu.memory_space<vmem>>, vector<16xf32>,
        %add3A_271 = arith.addf %select_n3A, %get3A_270 : vector<16xf32>
        %max3A_272 = arith.maximumf %scan3A_197, %add3A_271 : vector<16xf32>
        %min3A_273 = arith.minimumf %scan3A_197, %add3A_271 : vector<16xf32>
        %max3A_274 = arith.maximumf %scan3A_198, %min3A_273 : vector<16xf32>
        %min3A_275 = arith.minimumf %scan3A_198, %min3A_273 : vector<16xf32>
        %max3A_276 = arith.maximumf %scan3A_199, %min3A_275 : vector<16xf32>
        %min3A_277 = arith.minimumf %scan3A_199, %min3A_275 : vector<16xf32>
        %max3A_278 = arith.maximumf %scan3A_200, %min3A_277 : vector<16xf32>
        %min3A_279 = arith.minimumf %scan3A_200, %min3A_277 : vector<16xf32>
        %max3A_280 = arith.maximumf %scan3A_201, %min3A_279 : vector<16xf32>
        %mul3A_281 = arith.constant 2 : i32
        %mul3A_282 = arith.muli %scan3A_176, %mul3A_281 : i32
        %add3A_283 = arith.constant 1 : i32
        %add3A_284 = arith.addi %mul3A_282, %add3A_283 : i32
        %get3A_285 = arith.index_cast %add3A_284 : i32 to index
        %get3A_286 = arith.index_cast %mul3A_99 : i32 to index
        %get3A_287 = tpu.vector_load %arg9[%get3A_285, %get3A_286] {strides = array<i32>} : memref<100x128xf32, #tpu.memory_space<vmem>>, vector<16xf32>,
        %eq3A_288 = vector.broadcast %add3A_284 : i32 to vector<16xi32>
        %eq3A_289 = arith.cmpi eq, %get3A_100, %eq3A_288 : vector<16xi32>
        %mul3A_290 = arith.constant 5.000000e+02 : f32
        %mul3A_291 = vector.broadcast %mul3A_290 : f32 to vector<16xf32>
        %mul3A_292 = arith.mulf %get3A_287, %mul3A_291 : vector<16xf32>
        %jit3A_293 = arith.constant -1.000000e+10 : f32
        %broadcast_in_dim3A_294 = vector.broadcast %jit3A_293 : f32 to vector<16xf32>
        %select_n3A_295 = arith.select %eq3A_289, %broadcast_in_dim3A_294, %mul3A_292 : vector<16xi1>, vector<16xf32>
        %jit3A_296 = arith.constant 0.000000e+00 : f32
        %broadcast_in_dim3A_297 = vector.broadcast %jit3A_296 : f32 to vector<16xf32>
        %select_n3A_298 = arith.select %eq3A_289, %get3A_287, %broadcast_in_dim3A_297 : vector<16xi1>, vector<16xf32>
        %add3A_299 = arith.addf %add3A_216, %select_n3A_298 : vector<16xf32>
        %get3A_300 = arith.index_cast %add3A_284 : i32 to index
        %get3A_301 = arith.index_cast %mul3A_99 : i32 to index
        %get3A_302 = tpu.vector_load %arg13[%get3A_300, %get3A_301] {strides = array<i32>} : memref<100x128xf32, #tpu.memory_space<vmem>>, vector<16xf32>,
        %add3A_303 = arith.addf %select_n3A_295, %get3A_302 : vector<16xf32>
        %max3A_304 = arith.maximumf %max3A_221, %add3A_303 : vector<16xf32>
        %min3A_305 = arith.minimumf %max3A_221, %add3A_303 : vector<16xf32>
        %max3A_306 = arith.maximumf %max3A_222, %min3A_305 : vector<16xf32>
        %min3A_307 = arith.minimumf %max3A_222, %min3A_305 : vector<16xf32>
        %max3A_308 = arith.maximumf %max3A_224, %min3A_307 : vector<16xf32>
        %min3A_309 = arith.minimumf %max3A_224, %min3A_307 : vector<16xf32>
        %max3A_310 = arith.maximumf %max3A_226, %min3A_309 : vector<16xf32>
        %min3A_311 = arith.minimumf %max3A_226, %min3A_309 : vector<16xf32>
        %max3A_312 = arith.maximumf %max3A_228, %min3A_311 : vector<16xf32>
        %get3A_313 = arith.index_cast %add3A_284 : i32 to index
        %get3A_314 = arith.index_cast %mul3A_99 : i32 to index
        %get3A_315 = tpu.vector_load %arg14[%get3A_313, %get3A_314] {strides = array<i32>} : memref<100x128xf32, #tpu.memory_space<vmem>>, vector<16xf32>,
        %add3A_316 = arith.addf %select_n3A_295, %get3A_315 : vector<16xf32>
        %max3A_317 = arith.maximumf %max3A_233, %add3A_316 : vector<16xf32>
        %min3A_318 = arith.minimumf %max3A_233, %add3A_316 : vector<16xf32>
        %max3A_319 = arith.maximumf %max3A_235, %min3A_318 : vector<16xf32>
        %min3A_320 = arith.minimumf %max3A_235, %min3A_318 : vector<16xf32>
        %max3A_321 = arith.maximumf %max3A_237, %min3A_320 : vector<16xf32>
        %min3A_322 = arith.minimumf %max3A_237, %min3A_320 : vector<16xf32>
        %max3A_323 = arith.maximumf %max3A_239, %min3A_322 : vector<16xf32>
        %min3A_324 = arith.minimumf %max3A_239, %min3A_322 : vector<16xf32>
        %max3A_325 = arith.maximumf %max3A_241, %min3A_324 : vector<16xf32>
        %get3A_326 = arith.index_cast %add3A_284 : i32 to index
        %get3A_327 = arith.index_cast %mul3A_99 : i32 to index
        %get3A_328 = tpu.vector_load %arg15[%get3A_326, %get3A_327] {strides = array<i32>} : memref<100x128xf32, #tpu.memory_space<vmem>>, vector<16xf32>,
        %add3A_329 = arith.addf %select_n3A_295, %get3A_328 : vector<16xf32>
        %max3A_330 = arith.maximumf %max3A_246, %add3A_329 : vector<16xf32>
        %min3A_331 = arith.minimumf %max3A_246, %add3A_329 : vector<16xf32>
        %max3A_332 = arith.maximumf %max3A_248, %min3A_331 : vector<16xf32>
        %min3A_333 = arith.minimumf %max3A_248, %min3A_331 : vector<16xf32>
        %max3A_334 = arith.maximumf %max3A_250, %min3A_333 : vector<16xf32>
        %min3A_335 = arith.minimumf %max3A_250, %min3A_333 : vector<16xf32>
        %max3A_336 = arith.maximumf %max3A_252, %min3A_335 : vector<16xf32>
        %min3A_337 = arith.minimumf %max3A_252, %min3A_335 : vector<16xf32>
        %max3A_338 = arith.maximumf %max3A_254, %min3A_337 : vector<16xf32>
        %get3A_339 = arith.index_cast %add3A_284 : i32 to index
        %get3A_340 = arith.index_cast %mul3A_99 : i32 to index
        %get3A_341 = tpu.vector_load %arg11[%get3A_339, %get3A_340] {strides = array<i32>} : memref<100x128xf32, #tpu.memory_space<vmem>>, vector<16xf32>,
        %add3A_342 = arith.addf %select_n3A_295, %get3A_341 : vector<16xf32>
        %max3A_343 = arith.maximumf %max3A_259, %add3A_342 : vector<16xf32>
        %min3A_344 = arith.minimumf %max3A_259, %add3A_342 : vector<16xf32>
        %max3A_345 = arith.maximumf %max3A_261, %min3A_344 : vector<16xf32>
        %min3A_346 = arith.minimumf %max3A_261, %min3A_344 : vector<16xf32>
        %max3A_347 = arith.maximumf %max3A_263, %min3A_346 : vector<16xf32>
        %min3A_348 = arith.minimumf %max3A_263, %min3A_346 : vector<16xf32>
        %max3A_349 = arith.maximumf %max3A_265, %min3A_348 : vector<16xf32>
        %min3A_350 = arith.minimumf %max3A_265, %min3A_348 : vector<16xf32>
        %max3A_351 = arith.maximumf %max3A_267, %min3A_350 : vector<16xf32>
        %get3A_352 = arith.index_cast %add3A_284 : i32 to index
        %get3A_353 = arith.index_cast %mul3A_99 : i32 to index
        %get3A_354 = tpu.vector_load %arg12[%get3A_352, %get3A_353] {strides = array<i32>} : memref<100x128xf32, #tpu.memory_space<vmem>>, vector<16xf32>,
        %add3A_355 = arith.addf %select_n3A_295, %get3A_354 : vector<16xf32>
        %max3A_356 = arith.maximumf %max3A_272, %add3A_355 : vector<16xf32>
        %min3A_357 = arith.minimumf %max3A_272, %add3A_355 : vector<16xf32>
        %max3A_358 = arith.maximumf %max3A_274, %min3A_357 : vector<16xf32>
        %min3A_359 = arith.minimumf %max3A_274, %min3A_357 : vector<16xf32>
        %max3A_360 = arith.maximumf %max3A_276, %min3A_359 : vector<16xf32>
        %min3A_361 = arith.minimumf %max3A_276, %min3A_359 : vector<16xf32>
        %max3A_362 = arith.maximumf %max3A_278, %min3A_361 : vector<16xf32>
        %min3A_363 = arith.minimumf %max3A_278, %min3A_361 : vector<16xf32>
        %max3A_364 = arith.maximumf %max3A_280, %min3A_363 : vector<16xf32>
        scf.yield %max3A_304, %max3A_306, %max3A_308, %max3A_310, %max3A_312, %max3A_317, %max3A_319, %max3A_321, %max3A_323, %max3A_325, %max3A_330, %max3A_332, %max3A_334, %max3A_336, %max3A_338, %max3A_343, %max3A_345, %max3A_347, %max3A_349, %max3A_351, %max3A_356, %max3A_358, %max3A_360, %max3A_362, %max3A_364, %add3A_299 : vector<16xf32>, vector<16xf32>, vector<16xf32>, vector<16xf32>, vector<16xf32>, vector<16xf32>, vector<16xf32>, vector<16xf32>, vector<16xf32>, vector<16xf32>, vector<16xf32>, vector<16xf32>, vector<16xf32>, vector<16xf32>, vector<16xf32>, vector<16xf32>, vector<16xf32>, vector<16xf32>, vector<16xf32>, vector<16xf32>, vector<16xf32>, vector<16xf32>, vector<16xf32>, vector<16xf32>, vector<16xf32>, vector<16xf32>
      }
      %scan3A_158 = arith.constant 50 : i32
      %add3A_159 = arith.addf %scan3A_157#4, %scan3A_157#9 : vector<16xf32>
      %add3A_160 = arith.addf %add3A_159, %scan3A_157#14 : vector<16xf32>
      %add3A_161 = arith.addf %add3A_160, %scan3A_157#19 : vector<16xf32>
      %add3A_162 = arith.addf %add3A_161, %scan3A_157#24 : vector<16xf32>
      %mul3A_163 = arith.constant 2.000000e-02 : f32
      %mul3A_164 = vector.broadcast %mul3A_163 : f32 to vector<16xf32>
      %mul3A_165 = arith.mulf %add3A_162, %mul3A_164 : vector<16xf32>
      %gather3A = tpu.vector_load_idx %arg7[%get3A_100] : memref<100xf32, #tpu.memory_space<vmem>>[vector<16xi32>], vector<16xf32>,
      %sub3A = arith.subf %scan3A_157#25, %gather3A : vector<16xf32>
      %mul3A_166 = arith.constant 5.000000e+01 : f32
      %mul3A_167 = vector.broadcast %mul3A_166 : f32 to vector<16xf32>
      %mul3A_168 = arith.mulf %sub3A, %mul3A_167 : vector<16xf32>
      %add3A_169 = arith.constant 1.000000e+00 : f32
      %add3A_170 = vector.broadcast %add3A_169 : f32 to vector<16xf32>
      %add3A_171 = arith.addf %add3A_170, %mul3A_165 : vector<16xf32>
      %sub3A_172 = arith.subf %add3A_171, %mul3A_168 : vector<16xf32>
      %max3A = arith.constant 0.000000e+00 : f32
      %max3A_173 = vector.broadcast %max3A : f32 to vector<16xf32>
      %max3A_174 = arith.maximumf %sub3A_172, %max3A_173 : vector<16xf32>
      %add3A_175 = arith.addf %scan3A_97, %max3A_174 : vector<16xf32>
      scf.yield %add3A_175 : vector<16xf32>
    }
    %scan3A_94 = arith.constant 8 : i32
    %swap3A = arith.constant 0 : index
    %swap3A_95 = tpu.vector_load %arg8[%swap3A] {strides = array<i32>} : memref<16xf32, #tpu.memory_space<vmem>>, vector<16xf32>,
    tpu.vector_store %arg8[%swap3A], %scan3A_93 {strides = array<i32>} : memref<16xf32, #tpu.memory_space<vmem>>, vector<16xf32>,
    "tpu.region"() ({
      %run_scoped3A = tpu.sem_alloc : memref<!tpu.dma_semaphore, #tpu.memory_space<semaphore_mem>>
      %dma_start3A_96 = arith.constant 0 : i32
      %dma_start3A_97 = tpu.memref_slice %arg6[%add3A, %dma_start3A_96] : memref<32x16xf32, #tpu.memory_space<hbm>> -> memref<1x16xf32, #tpu.memory_space<hbm>>
      %dma_start3A_98 = tpu.memref_squeeze %dma_start3A_97 : memref<1x16xf32, #tpu.memory_space<hbm>> -> memref<16xf32, #tpu.memory_space<hbm>>
      %dma_start3A_99 = arith.constant 0 : i32
      %dma_start3A_100 = tpu.memref_slice %arg6[%add3A, %dma_start3A_99] : memref<32x16xf32, #tpu.memory_space<hbm>> -> memref<1x16xf32, #tpu.memory_space<hbm>>
      %dma_start3A_101 = tpu.memref_squeeze %dma_start3A_100 : memref<1x16xf32, #tpu.memory_space<hbm>> -> memref<16xf32, #tpu.memory_space<hbm>>
      tpu.enqueue_dma source(%arg8 : memref<16xf32, #tpu.memory_space<vmem>>) target(%dma_start3A_101 : memref<16xf32, #tpu.memory_space<hbm>>) target_semaphore(%run_scoped3A : memref<!tpu.dma_semaphore, #tpu.memory_space<semaphore_mem>>)
      %dma_wait3A_102 = arith.constant 0 : i32
      %dma_wait3A_103 = tpu.memref_slice %arg6[%add3A, %dma_wait3A_102] : memref<32x16xf32, #tpu.memory_space<hbm>> -> memref<1x16xf32, #tpu.memory_space<hbm>>
      %dma_wait3A_104 = tpu.memref_squeeze %dma_wait3A_103 : memref<1x16xf32, #tpu.memory_space<hbm>> -> memref<16xf32, #tpu.memory_space<hbm>>
      %dma_wait3A_105 = arith.constant 0 : i32
      %dma_wait3A_106 = tpu.memref_slice %arg6[%add3A, %dma_wait3A_105] : memref<32x16xf32, #tpu.memory_space<hbm>> -> memref<1x16xf32, #tpu.memory_space<hbm>>
      %dma_wait3A_107 = tpu.memref_squeeze %dma_wait3A_106 : memref<1x16xf32, #tpu.memory_space<hbm>> -> memref<16xf32, #tpu.memory_space<hbm>>
      tpu.wait_dma2 semaphore(%run_scoped3A : memref<!tpu.dma_semaphore, #tpu.memory_space<semaphore_mem>>) src(%arg8 : memref<16xf32, #tpu.memory_space<vmem>>) dst(%dma_wait3A_107 : memref<16xf32, #tpu.memory_space<hbm>>)
      tpu.yield
    }) : () -> ()
    return
  }
}

module attributes {stable_mosaic.version = 14 : i64} {
  func.func @tc_body(%arg0: i32, %arg1: memref<100x512xf32, #tpu.memory_space<vmem>>, %arg2: memref<1x512xi32, #tpu.memory_space<vmem>>, %arg3: memref<100x1xf32, #tpu.memory_space<vmem>>, %arg4: memref<5x100x512xf32, #tpu.memory_space<vmem>>, %arg5: memref<1x512xf32, #tpu.memory_space<vmem>>) attributes {dimension_semantics = [#tpu.dimension_semantics<arbitrary>], iteration_bounds = array<i64: 24>, scalar_prefetch = 0 : i64, scratch_operands = 0 : i64, tpu.core_type = #tpu.core_type<tc>, window_params = [{transform_indices = @transform_0, window_bounds = array<i64: 100, 512>}, {transform_indices = @transform_1, window_bounds = array<i64: 1, 512>}, {pipeline_mode = #tpu.pipeline_mode<synchronous>, transform_indices = @transform_2, window_bounds = array<i64: 100, 1>}, {transform_indices = @transform_3, window_bounds = array<i64: 5, 100, 512>}, {transform_indices = @transform_4, window_bounds = array<i64: 1, 512>}]} {
    %get3A = arith.constant 0 : index
    %get3A_0 = arith.constant 0 : index
    %get3A_1 = vector.load %arg2[%get3A, %get3A_0] : memref<1x512xi32, #tpu.memory_space<vmem>>, vector<1x512xi32>
    %get3A_2 = vector.shape_cast %get3A_1 : vector<1x512xi32> to vector<512xi32>
    %get3A_3 = arith.constant 0 : index
    %get3A_4 = arith.constant 0 : index
    %get3A_5 = vector.load %arg1[%get3A_3, %get3A_4] : memref<100x512xf32, #tpu.memory_space<vmem>>, vector<100x512xf32>
    %iota3A = tpu.iota {dimensions = array<i32: 0>} : vector<100x512xi32>
    %broadcast_in_dim3A = vector.shape_cast %get3A_2 : vector<512xi32> to vector<1x512xi32>
    %eq3A = vector.broadcast %broadcast_in_dim3A : vector<1x512xi32> to vector<100x512xi32>
    %eq3A_6 = arith.cmpi eq, %iota3A, %eq3A : vector<100x512xi32>
    %mul3A = arith.constant 5.000000e+02 : f32
    %mul3A_7 = vector.broadcast %mul3A : f32 to vector<100x512xf32>
    %mul3A_8 = arith.mulf %get3A_5, %mul3A_7 : vector<100x512xf32>
    %jit3A = arith.constant -1.000000e+10 : f32
    %broadcast_in_dim3A_9 = vector.broadcast %jit3A : f32 to vector<100x512xf32>
    %select_n3A = arith.select %eq3A_6, %broadcast_in_dim3A_9, %mul3A_8 : vector<100x512xi1>, vector<100x512xf32>
    %jit3A_10 = arith.constant 0.000000e+00 : f32
    %broadcast_in_dim3A_11 = vector.broadcast %jit3A_10 : f32 to vector<100x512xf32>
    %select_n3A_12 = arith.select %eq3A_6, %get3A_5, %broadcast_in_dim3A_11 : vector<100x512xi1>, vector<100x512xf32>
    %reduce_sum3A = arith.constant dense<0.000000e+00> : vector<512xf32>
    %reduce_sum3A_13 = vector.multi_reduction <add>, %select_n3A_12, %reduce_sum3A [0] : vector<100x512xf32> to vector<512xf32>
    %get3A_14 = arith.constant 0 : index
    %get3A_15 = arith.constant 0 : index
    %get3A_16 = vector.load %arg3[%get3A_14, %get3A_15] : memref<100x1xf32, #tpu.memory_space<vmem>>, vector<100x1xf32>
    %jit3A_17 = arith.constant 0.000000e+00 : f32
    %broadcast_in_dim3A_18 = vector.shape_cast %get3A_16 : vector<100x1xf32> to vector<100x1xf32>
    %broadcast_in_dim3A_19 = vector.broadcast %broadcast_in_dim3A_18 : vector<100x1xf32> to vector<100x512xf32>
    %broadcast_in_dim3A_20 = vector.broadcast %jit3A_17 : f32 to vector<100x512xf32>
    %select_n3A_21 = arith.select %eq3A_6, %broadcast_in_dim3A_19, %broadcast_in_dim3A_20 : vector<100x512xi1>, vector<100x512xf32>
    %reduce_sum3A_22 = arith.constant dense<0.000000e+00> : vector<512xf32>
    %reduce_sum3A_23 = vector.multi_reduction <add>, %select_n3A_21, %reduce_sum3A_22 [0] : vector<100x512xf32> to vector<512xf32>
    %iota3A_24 = tpu.iota {dimensions = array<i32: 0>} : vector<8x512xi32>
    %broadcast_in_dim3A_25 = arith.constant 0.000000e+00 : f32
    %broadcast_in_dim3A_26 = vector.broadcast %broadcast_in_dim3A_25 : f32 to vector<512xf32>
    %get3A_27 = arith.constant 0 : index
    %get3A_28 = arith.constant 0 : index
    %get3A_29 = arith.constant 0 : index
    %get3A_30 = vector.load %arg4[%get3A_27, %get3A_28, %get3A_29] : memref<5x100x512xf32, #tpu.memory_space<vmem>>, vector<1x100x512xf32>
    %get3A_31 = vector.shape_cast %get3A_30 : vector<1x100x512xf32> to vector<100x512xf32>
    %add3A = arith.addf %select_n3A, %get3A_31 : vector<100x512xf32>
    %broadcast_in_dim3A_32 = arith.constant -3.000000e+38 : f32
    %broadcast_in_dim3A_33 = vector.broadcast %broadcast_in_dim3A_32 : f32 to vector<8x512xf32>
    %broadcast_in_dim3A_34 = arith.constant -3.000000e+38 : f32
    %broadcast_in_dim3A_35 = vector.broadcast %broadcast_in_dim3A_34 : f32 to vector<8x512xf32>
    %broadcast_in_dim3A_36 = arith.constant -3.000000e+38 : f32
    %broadcast_in_dim3A_37 = vector.broadcast %broadcast_in_dim3A_36 : f32 to vector<8x512xf32>
    %broadcast_in_dim3A_38 = arith.constant -3.000000e+38 : f32
    %broadcast_in_dim3A_39 = vector.broadcast %broadcast_in_dim3A_38 : f32 to vector<8x512xf32>
    %broadcast_in_dim3A_40 = arith.constant -3.000000e+38 : f32
    %broadcast_in_dim3A_41 = vector.broadcast %broadcast_in_dim3A_40 : f32 to vector<8x512xf32>
    %slice3A = vector.extract_strided_slice %add3A {offsets = [0, 0], sizes = [8, 512], strides = [1, 1]} : vector<100x512xf32> to vector<8x512xf32>
    %max3A = arith.maximumf %broadcast_in_dim3A_33, %slice3A : vector<8x512xf32>
    %min3A = arith.minimumf %broadcast_in_dim3A_33, %slice3A : vector<8x512xf32>
    %max3A_42 = arith.maximumf %broadcast_in_dim3A_35, %min3A : vector<8x512xf32>
    %min3A_43 = arith.minimumf %broadcast_in_dim3A_35, %min3A : vector<8x512xf32>
    %max3A_44 = arith.maximumf %broadcast_in_dim3A_37, %min3A_43 : vector<8x512xf32>
    %min3A_45 = arith.minimumf %broadcast_in_dim3A_37, %min3A_43 : vector<8x512xf32>
    %max3A_46 = arith.maximumf %broadcast_in_dim3A_39, %min3A_45 : vector<8x512xf32>
    %min3A_47 = arith.minimumf %broadcast_in_dim3A_39, %min3A_45 : vector<8x512xf32>
    %max3A_48 = arith.maximumf %broadcast_in_dim3A_41, %min3A_47 : vector<8x512xf32>
    %slice3A_49 = vector.extract_strided_slice %add3A {offsets = [8, 0], sizes = [8, 512], strides = [1, 1]} : vector<100x512xf32> to vector<8x512xf32>
    %max3A_50 = arith.maximumf %max3A, %slice3A_49 : vector<8x512xf32>
    %min3A_51 = arith.minimumf %max3A, %slice3A_49 : vector<8x512xf32>
    %max3A_52 = arith.maximumf %max3A_42, %min3A_51 : vector<8x512xf32>
    %min3A_53 = arith.minimumf %max3A_42, %min3A_51 : vector<8x512xf32>
    %max3A_54 = arith.maximumf %max3A_44, %min3A_53 : vector<8x512xf32>
    %min3A_55 = arith.minimumf %max3A_44, %min3A_53 : vector<8x512xf32>
    %max3A_56 = arith.maximumf %max3A_46, %min3A_55 : vector<8x512xf32>
    %min3A_57 = arith.minimumf %max3A_46, %min3A_55 : vector<8x512xf32>
    %max3A_58 = arith.maximumf %max3A_48, %min3A_57 : vector<8x512xf32>
    %slice3A_59 = vector.extract_strided_slice %add3A {offsets = [16, 0], sizes = [8, 512], strides = [1, 1]} : vector<100x512xf32> to vector<8x512xf32>
    %max3A_60 = arith.maximumf %max3A_50, %slice3A_59 : vector<8x512xf32>
    %min3A_61 = arith.minimumf %max3A_50, %slice3A_59 : vector<8x512xf32>
    %max3A_62 = arith.maximumf %max3A_52, %min3A_61 : vector<8x512xf32>
    %min3A_63 = arith.minimumf %max3A_52, %min3A_61 : vector<8x512xf32>
    %max3A_64 = arith.maximumf %max3A_54, %min3A_63 : vector<8x512xf32>
    %min3A_65 = arith.minimumf %max3A_54, %min3A_63 : vector<8x512xf32>
    %max3A_66 = arith.maximumf %max3A_56, %min3A_65 : vector<8x512xf32>
    %min3A_67 = arith.minimumf %max3A_56, %min3A_65 : vector<8x512xf32>
    %max3A_68 = arith.maximumf %max3A_58, %min3A_67 : vector<8x512xf32>
    %slice3A_69 = vector.extract_strided_slice %add3A {offsets = [24, 0], sizes = [8, 512], strides = [1, 1]} : vector<100x512xf32> to vector<8x512xf32>
    %max3A_70 = arith.maximumf %max3A_60, %slice3A_69 : vector<8x512xf32>
    %min3A_71 = arith.minimumf %max3A_60, %slice3A_69 : vector<8x512xf32>
    %max3A_72 = arith.maximumf %max3A_62, %min3A_71 : vector<8x512xf32>
    %min3A_73 = arith.minimumf %max3A_62, %min3A_71 : vector<8x512xf32>
    %max3A_74 = arith.maximumf %max3A_64, %min3A_73 : vector<8x512xf32>
    %min3A_75 = arith.minimumf %max3A_64, %min3A_73 : vector<8x512xf32>
    %max3A_76 = arith.maximumf %max3A_66, %min3A_75 : vector<8x512xf32>
    %min3A_77 = arith.minimumf %max3A_66, %min3A_75 : vector<8x512xf32>
    %max3A_78 = arith.maximumf %max3A_68, %min3A_77 : vector<8x512xf32>
    %slice3A_79 = vector.extract_strided_slice %add3A {offsets = [32, 0], sizes = [8, 512], strides = [1, 1]} : vector<100x512xf32> to vector<8x512xf32>
    %max3A_80 = arith.maximumf %max3A_70, %slice3A_79 : vector<8x512xf32>
    %min3A_81 = arith.minimumf %max3A_70, %slice3A_79 : vector<8x512xf32>
    %max3A_82 = arith.maximumf %max3A_72, %min3A_81 : vector<8x512xf32>
    %min3A_83 = arith.minimumf %max3A_72, %min3A_81 : vector<8x512xf32>
    %max3A_84 = arith.maximumf %max3A_74, %min3A_83 : vector<8x512xf32>
    %min3A_85 = arith.minimumf %max3A_74, %min3A_83 : vector<8x512xf32>
    %max3A_86 = arith.maximumf %max3A_76, %min3A_85 : vector<8x512xf32>
    %min3A_87 = arith.minimumf %max3A_76, %min3A_85 : vector<8x512xf32>
    %max3A_88 = arith.maximumf %max3A_78, %min3A_87 : vector<8x512xf32>
    %slice3A_89 = vector.extract_strided_slice %add3A {offsets = [40, 0], sizes = [8, 512], strides = [1, 1]} : vector<100x512xf32> to vector<8x512xf32>
    %max3A_90 = arith.maximumf %max3A_80, %slice3A_89 : vector<8x512xf32>
    %min3A_91 = arith.minimumf %max3A_80, %slice3A_89 : vector<8x512xf32>
    %max3A_92 = arith.maximumf %max3A_82, %min3A_91 : vector<8x512xf32>
    %min3A_93 = arith.minimumf %max3A_82, %min3A_91 : vector<8x512xf32>
    %max3A_94 = arith.maximumf %max3A_84, %min3A_93 : vector<8x512xf32>
    %min3A_95 = arith.minimumf %max3A_84, %min3A_93 : vector<8x512xf32>
    %max3A_96 = arith.maximumf %max3A_86, %min3A_95 : vector<8x512xf32>
    %min3A_97 = arith.minimumf %max3A_86, %min3A_95 : vector<8x512xf32>
    %max3A_98 = arith.maximumf %max3A_88, %min3A_97 : vector<8x512xf32>
    %slice3A_99 = vector.extract_strided_slice %add3A {offsets = [48, 0], sizes = [8, 512], strides = [1, 1]} : vector<100x512xf32> to vector<8x512xf32>
    %max3A_100 = arith.maximumf %max3A_90, %slice3A_99 : vector<8x512xf32>
    %min3A_101 = arith.minimumf %max3A_90, %slice3A_99 : vector<8x512xf32>
    %max3A_102 = arith.maximumf %max3A_92, %min3A_101 : vector<8x512xf32>
    %min3A_103 = arith.minimumf %max3A_92, %min3A_101 : vector<8x512xf32>
    %max3A_104 = arith.maximumf %max3A_94, %min3A_103 : vector<8x512xf32>
    %min3A_105 = arith.minimumf %max3A_94, %min3A_103 : vector<8x512xf32>
    %max3A_106 = arith.maximumf %max3A_96, %min3A_105 : vector<8x512xf32>
    %min3A_107 = arith.minimumf %max3A_96, %min3A_105 : vector<8x512xf32>
    %max3A_108 = arith.maximumf %max3A_98, %min3A_107 : vector<8x512xf32>
    %slice3A_109 = vector.extract_strided_slice %add3A {offsets = [56, 0], sizes = [8, 512], strides = [1, 1]} : vector<100x512xf32> to vector<8x512xf32>
    %max3A_110 = arith.maximumf %max3A_100, %slice3A_109 : vector<8x512xf32>
    %min3A_111 = arith.minimumf %max3A_100, %slice3A_109 : vector<8x512xf32>
    %max3A_112 = arith.maximumf %max3A_102, %min3A_111 : vector<8x512xf32>
    %min3A_113 = arith.minimumf %max3A_102, %min3A_111 : vector<8x512xf32>
    %max3A_114 = arith.maximumf %max3A_104, %min3A_113 : vector<8x512xf32>
    %min3A_115 = arith.minimumf %max3A_104, %min3A_113 : vector<8x512xf32>
    %max3A_116 = arith.maximumf %max3A_106, %min3A_115 : vector<8x512xf32>
    %min3A_117 = arith.minimumf %max3A_106, %min3A_115 : vector<8x512xf32>
    %max3A_118 = arith.maximumf %max3A_108, %min3A_117 : vector<8x512xf32>
    %slice3A_119 = vector.extract_strided_slice %add3A {offsets = [64, 0], sizes = [8, 512], strides = [1, 1]} : vector<100x512xf32> to vector<8x512xf32>
    %max3A_120 = arith.maximumf %max3A_110, %slice3A_119 : vector<8x512xf32>
    %min3A_121 = arith.minimumf %max3A_110, %slice3A_119 : vector<8x512xf32>
    %max3A_122 = arith.maximumf %max3A_112, %min3A_121 : vector<8x512xf32>
    %min3A_123 = arith.minimumf %max3A_112, %min3A_121 : vector<8x512xf32>
    %max3A_124 = arith.maximumf %max3A_114, %min3A_123 : vector<8x512xf32>
    %min3A_125 = arith.minimumf %max3A_114, %min3A_123 : vector<8x512xf32>
    %max3A_126 = arith.maximumf %max3A_116, %min3A_125 : vector<8x512xf32>
    %min3A_127 = arith.minimumf %max3A_116, %min3A_125 : vector<8x512xf32>
    %max3A_128 = arith.maximumf %max3A_118, %min3A_127 : vector<8x512xf32>
    %slice3A_129 = vector.extract_strided_slice %add3A {offsets = [72, 0], sizes = [8, 512], strides = [1, 1]} : vector<100x512xf32> to vector<8x512xf32>
    %max3A_130 = arith.maximumf %max3A_120, %slice3A_129 : vector<8x512xf32>
    %min3A_131 = arith.minimumf %max3A_120, %slice3A_129 : vector<8x512xf32>
    %max3A_132 = arith.maximumf %max3A_122, %min3A_131 : vector<8x512xf32>
    %min3A_133 = arith.minimumf %max3A_122, %min3A_131 : vector<8x512xf32>
    %max3A_134 = arith.maximumf %max3A_124, %min3A_133 : vector<8x512xf32>
    %min3A_135 = arith.minimumf %max3A_124, %min3A_133 : vector<8x512xf32>
    %max3A_136 = arith.maximumf %max3A_126, %min3A_135 : vector<8x512xf32>
    %min3A_137 = arith.minimumf %max3A_126, %min3A_135 : vector<8x512xf32>
    %max3A_138 = arith.maximumf %max3A_128, %min3A_137 : vector<8x512xf32>
    %slice3A_139 = vector.extract_strided_slice %add3A {offsets = [80, 0], sizes = [8, 512], strides = [1, 1]} : vector<100x512xf32> to vector<8x512xf32>
    %max3A_140 = arith.maximumf %max3A_130, %slice3A_139 : vector<8x512xf32>
    %min3A_141 = arith.minimumf %max3A_130, %slice3A_139 : vector<8x512xf32>
    %max3A_142 = arith.maximumf %max3A_132, %min3A_141 : vector<8x512xf32>
    %min3A_143 = arith.minimumf %max3A_132, %min3A_141 : vector<8x512xf32>
    %max3A_144 = arith.maximumf %max3A_134, %min3A_143 : vector<8x512xf32>
    %min3A_145 = arith.minimumf %max3A_134, %min3A_143 : vector<8x512xf32>
    %max3A_146 = arith.maximumf %max3A_136, %min3A_145 : vector<8x512xf32>
    %min3A_147 = arith.minimumf %max3A_136, %min3A_145 : vector<8x512xf32>
    %max3A_148 = arith.maximumf %max3A_138, %min3A_147 : vector<8x512xf32>
    %slice3A_149 = vector.extract_strided_slice %add3A {offsets = [88, 0], sizes = [8, 512], strides = [1, 1]} : vector<100x512xf32> to vector<8x512xf32>
    %max3A_150 = arith.maximumf %max3A_140, %slice3A_149 : vector<8x512xf32>
    %min3A_151 = arith.minimumf %max3A_140, %slice3A_149 : vector<8x512xf32>
    %max3A_152 = arith.maximumf %max3A_142, %min3A_151 : vector<8x512xf32>
    %min3A_153 = arith.minimumf %max3A_142, %min3A_151 : vector<8x512xf32>
    %max3A_154 = arith.maximumf %max3A_144, %min3A_153 : vector<8x512xf32>
    %min3A_155 = arith.minimumf %max3A_144, %min3A_153 : vector<8x512xf32>
    %max3A_156 = arith.maximumf %max3A_146, %min3A_155 : vector<8x512xf32>
    %min3A_157 = arith.minimumf %max3A_146, %min3A_155 : vector<8x512xf32>
    %max3A_158 = arith.maximumf %max3A_148, %min3A_157 : vector<8x512xf32>
    %slice3A_159 = vector.extract_strided_slice %add3A {offsets = [92, 0], sizes = [8, 512], strides = [1, 1]} : vector<100x512xf32> to vector<8x512xf32>
    %lt3A = arith.constant 4 : i32
    %lt3A_160 = vector.broadcast %lt3A : i32 to vector<8x512xi32>
    %lt3A_161 = arith.cmpi slt, %iota3A_24, %lt3A_160 : vector<8x512xi32>
    %jit3A_162 = arith.constant -3.000000e+38 : f32
    %broadcast_in_dim3A_163 = vector.broadcast %jit3A_162 : f32 to vector<8x512xf32>
    %select_n3A_164 = arith.select %lt3A_161, %broadcast_in_dim3A_163, %slice3A_159 : vector<8x512xi1>, vector<8x512xf32>
    %max3A_165 = arith.maximumf %max3A_150, %select_n3A_164 : vector<8x512xf32>
    %min3A_166 = arith.minimumf %max3A_150, %select_n3A_164 : vector<8x512xf32>
    %max3A_167 = arith.maximumf %max3A_152, %min3A_166 : vector<8x512xf32>
    %min3A_168 = arith.minimumf %max3A_152, %min3A_166 : vector<8x512xf32>
    %max3A_169 = arith.maximumf %max3A_154, %min3A_168 : vector<8x512xf32>
    %min3A_170 = arith.minimumf %max3A_154, %min3A_168 : vector<8x512xf32>
    %max3A_171 = arith.maximumf %max3A_156, %min3A_170 : vector<8x512xf32>
    %min3A_172 = arith.minimumf %max3A_156, %min3A_170 : vector<8x512xf32>
    %max3A_173 = arith.maximumf %max3A_158, %min3A_172 : vector<8x512xf32>
    %roll3A = arith.constant 4 : i32
    %roll3A_174 = tpu.dynamic_rotate %max3A_165 by %roll3A dim 0 : vector<8x512xf32>, i32 -> vector<8x512xf32>
    %roll3A_175 = arith.constant 4 : i32
    %roll3A_176 = tpu.dynamic_rotate %max3A_167 by %roll3A_175 dim 0 : vector<8x512xf32>, i32 -> vector<8x512xf32>
    %roll3A_177 = arith.constant 4 : i32
    %roll3A_178 = tpu.dynamic_rotate %max3A_169 by %roll3A_177 dim 0 : vector<8x512xf32>, i32 -> vector<8x512xf32>
    %roll3A_179 = arith.constant 4 : i32
    %roll3A_180 = tpu.dynamic_rotate %max3A_171 by %roll3A_179 dim 0 : vector<8x512xf32>, i32 -> vector<8x512xf32>
    %roll3A_181 = arith.constant 4 : i32
    %roll3A_182 = tpu.dynamic_rotate %max3A_173 by %roll3A_181 dim 0 : vector<8x512xf32>, i32 -> vector<8x512xf32>
    %max3A_183 = arith.maximumf %max3A_165, %roll3A_174 : vector<8x512xf32>
    %max3A_184 = arith.maximumf %max3A_167, %roll3A_176 : vector<8x512xf32>
    %min3A_185 = arith.minimumf %max3A_165, %roll3A_174 : vector<8x512xf32>
    %max3A_186 = arith.maximumf %max3A_184, %min3A_185 : vector<8x512xf32>
    %max3A_187 = arith.maximumf %max3A_169, %roll3A_178 : vector<8x512xf32>
    %min3A_188 = arith.minimumf %max3A_165, %roll3A_176 : vector<8x512xf32>
    %min3A_189 = arith.minimumf %max3A_167, %roll3A_174 : vector<8x512xf32>
    %max3A_190 = arith.maximumf %min3A_188, %min3A_189 : vector<8x512xf32>
    %max3A_191 = arith.maximumf %max3A_187, %max3A_190 : vector<8x512xf32>
    %max3A_192 = arith.maximumf %max3A_171, %roll3A_180 : vector<8x512xf32>
    %min3A_193 = arith.minimumf %max3A_165, %roll3A_178 : vector<8x512xf32>
    %min3A_194 = arith.minimumf %max3A_167, %roll3A_176 : vector<8x512xf32>
    %min3A_195 = arith.minimumf %max3A_169, %roll3A_174 : vector<8x512xf32>
    %max3A_196 = arith.maximumf %min3A_194, %min3A_195 : vector<8x512xf32>
    %max3A_197 = arith.maximumf %min3A_193, %max3A_196 : vector<8x512xf32>
    %max3A_198 = arith.maximumf %max3A_192, %max3A_197 : vector<8x512xf32>
    %max3A_199 = arith.maximumf %max3A_173, %roll3A_182 : vector<8x512xf32>
    %min3A_200 = arith.minimumf %max3A_165, %roll3A_180 : vector<8x512xf32>
    %min3A_201 = arith.minimumf %max3A_167, %roll3A_178 : vector<8x512xf32>
    %max3A_202 = arith.maximumf %min3A_200, %min3A_201 : vector<8x512xf32>
    %min3A_203 = arith.minimumf %max3A_169, %roll3A_176 : vector<8x512xf32>
    %min3A_204 = arith.minimumf %max3A_171, %roll3A_174 : vector<8x512xf32>
    %max3A_205 = arith.maximumf %min3A_203, %min3A_204 : vector<8x512xf32>
    %max3A_206 = arith.maximumf %max3A_202, %max3A_205 : vector<8x512xf32>
    %max3A_207 = arith.maximumf %max3A_199, %max3A_206 : vector<8x512xf32>
    %roll3A_208 = arith.constant 2 : i32
    %roll3A_209 = tpu.dynamic_rotate %max3A_183 by %roll3A_208 dim 0 : vector<8x512xf32>, i32 -> vector<8x512xf32>
    %roll3A_210 = arith.constant 2 : i32
    %roll3A_211 = tpu.dynamic_rotate %max3A_186 by %roll3A_210 dim 0 : vector<8x512xf32>, i32 -> vector<8x512xf32>
    %roll3A_212 = arith.constant 2 : i32
    %roll3A_213 = tpu.dynamic_rotate %max3A_191 by %roll3A_212 dim 0 : vector<8x512xf32>, i32 -> vector<8x512xf32>
    %roll3A_214 = arith.constant 2 : i32
    %roll3A_215 = tpu.dynamic_rotate %max3A_198 by %roll3A_214 dim 0 : vector<8x512xf32>, i32 -> vector<8x512xf32>
    %roll3A_216 = arith.constant 2 : i32
    %roll3A_217 = tpu.dynamic_rotate %max3A_207 by %roll3A_216 dim 0 : vector<8x512xf32>, i32 -> vector<8x512xf32>
    %max3A_218 = arith.maximumf %max3A_183, %roll3A_209 : vector<8x512xf32>
    %max3A_219 = arith.maximumf %max3A_186, %roll3A_211 : vector<8x512xf32>
    %min3A_220 = arith.minimumf %max3A_183, %roll3A_209 : vector<8x512xf32>
    %max3A_221 = arith.maximumf %max3A_219, %min3A_220 : vector<8x512xf32>
    %max3A_222 = arith.maximumf %max3A_191, %roll3A_213 : vector<8x512xf32>
    %min3A_223 = arith.minimumf %max3A_183, %roll3A_211 : vector<8x512xf32>
    %min3A_224 = arith.minimumf %max3A_186, %roll3A_209 : vector<8x512xf32>
    %max3A_225 = arith.maximumf %min3A_223, %min3A_224 : vector<8x512xf32>
    %max3A_226 = arith.maximumf %max3A_222, %max3A_225 : vector<8x512xf32>
    %max3A_227 = arith.maximumf %max3A_198, %roll3A_215 : vector<8x512xf32>
    %min3A_228 = arith.minimumf %max3A_183, %roll3A_213 : vector<8x512xf32>
    %min3A_229 = arith.minimumf %max3A_186, %roll3A_211 : vector<8x512xf32>
    %min3A_230 = arith.minimumf %max3A_191, %roll3A_209 : vector<8x512xf32>
    %max3A_231 = arith.maximumf %min3A_229, %min3A_230 : vector<8x512xf32>
    %max3A_232 = arith.maximumf %min3A_228, %max3A_231 : vector<8x512xf32>
    %max3A_233 = arith.maximumf %max3A_227, %max3A_232 : vector<8x512xf32>
    %max3A_234 = arith.maximumf %max3A_207, %roll3A_217 : vector<8x512xf32>
    %min3A_235 = arith.minimumf %max3A_183, %roll3A_215 : vector<8x512xf32>
    %min3A_236 = arith.minimumf %max3A_186, %roll3A_213 : vector<8x512xf32>
    %max3A_237 = arith.maximumf %min3A_235, %min3A_236 : vector<8x512xf32>
    %min3A_238 = arith.minimumf %max3A_191, %roll3A_211 : vector<8x512xf32>
    %min3A_239 = arith.minimumf %max3A_198, %roll3A_209 : vector<8x512xf32>
    %max3A_240 = arith.maximumf %min3A_238, %min3A_239 : vector<8x512xf32>
    %max3A_241 = arith.maximumf %max3A_237, %max3A_240 : vector<8x512xf32>
    %max3A_242 = arith.maximumf %max3A_234, %max3A_241 : vector<8x512xf32>
    %roll3A_243 = arith.constant 1 : i32
    %roll3A_244 = tpu.dynamic_rotate %max3A_218 by %roll3A_243 dim 0 : vector<8x512xf32>, i32 -> vector<8x512xf32>
    %roll3A_245 = arith.constant 1 : i32
    %roll3A_246 = tpu.dynamic_rotate %max3A_221 by %roll3A_245 dim 0 : vector<8x512xf32>, i32 -> vector<8x512xf32>
    %roll3A_247 = arith.constant 1 : i32
    %roll3A_248 = tpu.dynamic_rotate %max3A_226 by %roll3A_247 dim 0 : vector<8x512xf32>, i32 -> vector<8x512xf32>
    %roll3A_249 = arith.constant 1 : i32
    %roll3A_250 = tpu.dynamic_rotate %max3A_233 by %roll3A_249 dim 0 : vector<8x512xf32>, i32 -> vector<8x512xf32>
    %roll3A_251 = arith.constant 1 : i32
    %roll3A_252 = tpu.dynamic_rotate %max3A_242 by %roll3A_251 dim 0 : vector<8x512xf32>, i32 -> vector<8x512xf32>
    %max3A_253 = arith.maximumf %max3A_242, %roll3A_252 : vector<8x512xf32>
    %min3A_254 = arith.minimumf %max3A_218, %roll3A_250 : vector<8x512xf32>
    %min3A_255 = arith.minimumf %max3A_221, %roll3A_248 : vector<8x512xf32>
    %max3A_256 = arith.maximumf %min3A_254, %min3A_255 : vector<8x512xf32>
    %min3A_257 = arith.minimumf %max3A_226, %roll3A_246 : vector<8x512xf32>
    %min3A_258 = arith.minimumf %max3A_233, %roll3A_244 : vector<8x512xf32>
    %max3A_259 = arith.maximumf %min3A_257, %min3A_258 : vector<8x512xf32>
    %max3A_260 = arith.maximumf %max3A_256, %max3A_259 : vector<8x512xf32>
    %max3A_261 = arith.maximumf %max3A_253, %max3A_260 : vector<8x512xf32>
    %slice3A_262 = vector.extract_strided_slice %max3A_261 {offsets = [0, 0], sizes = [1, 512], strides = [1, 1]} : vector<8x512xf32> to vector<1x512xf32>
    %squeeze3A = vector.shape_cast %slice3A_262 : vector<1x512xf32> to vector<512xf32>
    %add3A_263 = arith.addf %broadcast_in_dim3A_26, %squeeze3A : vector<512xf32>
    %get3A_264 = arith.constant 1 : index
    %get3A_265 = arith.constant 0 : index
    %get3A_266 = arith.constant 0 : index
    %get3A_267 = vector.load %arg4[%get3A_264, %get3A_265, %get3A_266] : memref<5x100x512xf32, #tpu.memory_space<vmem>>, vector<1x100x512xf32>
    %get3A_268 = vector.shape_cast %get3A_267 : vector<1x100x512xf32> to vector<100x512xf32>
    %add3A_269 = arith.addf %select_n3A, %get3A_268 : vector<100x512xf32>
    %broadcast_in_dim3A_270 = arith.constant -3.000000e+38 : f32
    %broadcast_in_dim3A_271 = vector.broadcast %broadcast_in_dim3A_270 : f32 to vector<8x512xf32>
    %broadcast_in_dim3A_272 = arith.constant -3.000000e+38 : f32
    %broadcast_in_dim3A_273 = vector.broadcast %broadcast_in_dim3A_272 : f32 to vector<8x512xf32>
    %broadcast_in_dim3A_274 = arith.constant -3.000000e+38 : f32
    %broadcast_in_dim3A_275 = vector.broadcast %broadcast_in_dim3A_274 : f32 to vector<8x512xf32>
    %broadcast_in_dim3A_276 = arith.constant -3.000000e+38 : f32
    %broadcast_in_dim3A_277 = vector.broadcast %broadcast_in_dim3A_276 : f32 to vector<8x512xf32>
    %broadcast_in_dim3A_278 = arith.constant -3.000000e+38 : f32
    %broadcast_in_dim3A_279 = vector.broadcast %broadcast_in_dim3A_278 : f32 to vector<8x512xf32>
    %slice3A_280 = vector.extract_strided_slice %add3A_269 {offsets = [0, 0], sizes = [8, 512], strides = [1, 1]} : vector<100x512xf32> to vector<8x512xf32>
    %max3A_281 = arith.maximumf %broadcast_in_dim3A_271, %slice3A_280 : vector<8x512xf32>
    %min3A_282 = arith.minimumf %broadcast_in_dim3A_271, %slice3A_280 : vector<8x512xf32>
    %max3A_283 = arith.maximumf %broadcast_in_dim3A_273, %min3A_282 : vector<8x512xf32>
    %min3A_284 = arith.minimumf %broadcast_in_dim3A_273, %min3A_282 : vector<8x512xf32>
    %max3A_285 = arith.maximumf %broadcast_in_dim3A_275, %min3A_284 : vector<8x512xf32>
    %min3A_286 = arith.minimumf %broadcast_in_dim3A_275, %min3A_284 : vector<8x512xf32>
    %max3A_287 = arith.maximumf %broadcast_in_dim3A_277, %min3A_286 : vector<8x512xf32>
    %min3A_288 = arith.minimumf %broadcast_in_dim3A_277, %min3A_286 : vector<8x512xf32>
    %max3A_289 = arith.maximumf %broadcast_in_dim3A_279, %min3A_288 : vector<8x512xf32>
    %slice3A_290 = vector.extract_strided_slice %add3A_269 {offsets = [8, 0], sizes = [8, 512], strides = [1, 1]} : vector<100x512xf32> to vector<8x512xf32>
    %max3A_291 = arith.maximumf %max3A_281, %slice3A_290 : vector<8x512xf32>
    %min3A_292 = arith.minimumf %max3A_281, %slice3A_290 : vector<8x512xf32>
    %max3A_293 = arith.maximumf %max3A_283, %min3A_292 : vector<8x512xf32>
    %min3A_294 = arith.minimumf %max3A_283, %min3A_292 : vector<8x512xf32>
    %max3A_295 = arith.maximumf %max3A_285, %min3A_294 : vector<8x512xf32>
    %min3A_296 = arith.minimumf %max3A_285, %min3A_294 : vector<8x512xf32>
    %max3A_297 = arith.maximumf %max3A_287, %min3A_296 : vector<8x512xf32>
    %min3A_298 = arith.minimumf %max3A_287, %min3A_296 : vector<8x512xf32>
    %max3A_299 = arith.maximumf %max3A_289, %min3A_298 : vector<8x512xf32>
    %slice3A_300 = vector.extract_strided_slice %add3A_269 {offsets = [16, 0], sizes = [8, 512], strides = [1, 1]} : vector<100x512xf32> to vector<8x512xf32>
    %max3A_301 = arith.maximumf %max3A_291, %slice3A_300 : vector<8x512xf32>
    %min3A_302 = arith.minimumf %max3A_291, %slice3A_300 : vector<8x512xf32>
    %max3A_303 = arith.maximumf %max3A_293, %min3A_302 : vector<8x512xf32>
    %min3A_304 = arith.minimumf %max3A_293, %min3A_302 : vector<8x512xf32>
    %max3A_305 = arith.maximumf %max3A_295, %min3A_304 : vector<8x512xf32>
    %min3A_306 = arith.minimumf %max3A_295, %min3A_304 : vector<8x512xf32>
    %max3A_307 = arith.maximumf %max3A_297, %min3A_306 : vector<8x512xf32>
    %min3A_308 = arith.minimumf %max3A_297, %min3A_306 : vector<8x512xf32>
    %max3A_309 = arith.maximumf %max3A_299, %min3A_308 : vector<8x512xf32>
    %slice3A_310 = vector.extract_strided_slice %add3A_269 {offsets = [24, 0], sizes = [8, 512], strides = [1, 1]} : vector<100x512xf32> to vector<8x512xf32>
    %max3A_311 = arith.maximumf %max3A_301, %slice3A_310 : vector<8x512xf32>
    %min3A_312 = arith.minimumf %max3A_301, %slice3A_310 : vector<8x512xf32>
    %max3A_313 = arith.maximumf %max3A_303, %min3A_312 : vector<8x512xf32>
    %min3A_314 = arith.minimumf %max3A_303, %min3A_312 : vector<8x512xf32>
    %max3A_315 = arith.maximumf %max3A_305, %min3A_314 : vector<8x512xf32>
    %min3A_316 = arith.minimumf %max3A_305, %min3A_314 : vector<8x512xf32>
    %max3A_317 = arith.maximumf %max3A_307, %min3A_316 : vector<8x512xf32>
    %min3A_318 = arith.minimumf %max3A_307, %min3A_316 : vector<8x512xf32>
    %max3A_319 = arith.maximumf %max3A_309, %min3A_318 : vector<8x512xf32>
    %slice3A_320 = vector.extract_strided_slice %add3A_269 {offsets = [32, 0], sizes = [8, 512], strides = [1, 1]} : vector<100x512xf32> to vector<8x512xf32>
    %max3A_321 = arith.maximumf %max3A_311, %slice3A_320 : vector<8x512xf32>
    %min3A_322 = arith.minimumf %max3A_311, %slice3A_320 : vector<8x512xf32>
    %max3A_323 = arith.maximumf %max3A_313, %min3A_322 : vector<8x512xf32>
    %min3A_324 = arith.minimumf %max3A_313, %min3A_322 : vector<8x512xf32>
    %max3A_325 = arith.maximumf %max3A_315, %min3A_324 : vector<8x512xf32>
    %min3A_326 = arith.minimumf %max3A_315, %min3A_324 : vector<8x512xf32>
    %max3A_327 = arith.maximumf %max3A_317, %min3A_326 : vector<8x512xf32>
    %min3A_328 = arith.minimumf %max3A_317, %min3A_326 : vector<8x512xf32>
    %max3A_329 = arith.maximumf %max3A_319, %min3A_328 : vector<8x512xf32>
    %slice3A_330 = vector.extract_strided_slice %add3A_269 {offsets = [40, 0], sizes = [8, 512], strides = [1, 1]} : vector<100x512xf32> to vector<8x512xf32>
    %max3A_331 = arith.maximumf %max3A_321, %slice3A_330 : vector<8x512xf32>
    %min3A_332 = arith.minimumf %max3A_321, %slice3A_330 : vector<8x512xf32>
    %max3A_333 = arith.maximumf %max3A_323, %min3A_332 : vector<8x512xf32>
    %min3A_334 = arith.minimumf %max3A_323, %min3A_332 : vector<8x512xf32>
    %max3A_335 = arith.maximumf %max3A_325, %min3A_334 : vector<8x512xf32>
    %min3A_336 = arith.minimumf %max3A_325, %min3A_334 : vector<8x512xf32>
    %max3A_337 = arith.maximumf %max3A_327, %min3A_336 : vector<8x512xf32>
    %min3A_338 = arith.minimumf %max3A_327, %min3A_336 : vector<8x512xf32>
    %max3A_339 = arith.maximumf %max3A_329, %min3A_338 : vector<8x512xf32>
    %slice3A_340 = vector.extract_strided_slice %add3A_269 {offsets = [48, 0], sizes = [8, 512], strides = [1, 1]} : vector<100x512xf32> to vector<8x512xf32>
    %max3A_341 = arith.maximumf %max3A_331, %slice3A_340 : vector<8x512xf32>
    %min3A_342 = arith.minimumf %max3A_331, %slice3A_340 : vector<8x512xf32>
    %max3A_343 = arith.maximumf %max3A_333, %min3A_342 : vector<8x512xf32>
    %min3A_344 = arith.minimumf %max3A_333, %min3A_342 : vector<8x512xf32>
    %max3A_345 = arith.maximumf %max3A_335, %min3A_344 : vector<8x512xf32>
    %min3A_346 = arith.minimumf %max3A_335, %min3A_344 : vector<8x512xf32>
    %max3A_347 = arith.maximumf %max3A_337, %min3A_346 : vector<8x512xf32>
    %min3A_348 = arith.minimumf %max3A_337, %min3A_346 : vector<8x512xf32>
    %max3A_349 = arith.maximumf %max3A_339, %min3A_348 : vector<8x512xf32>
    %slice3A_350 = vector.extract_strided_slice %add3A_269 {offsets = [56, 0], sizes = [8, 512], strides = [1, 1]} : vector<100x512xf32> to vector<8x512xf32>
    %max3A_351 = arith.maximumf %max3A_341, %slice3A_350 : vector<8x512xf32>
    %min3A_352 = arith.minimumf %max3A_341, %slice3A_350 : vector<8x512xf32>
    %max3A_353 = arith.maximumf %max3A_343, %min3A_352 : vector<8x512xf32>
    %min3A_354 = arith.minimumf %max3A_343, %min3A_352 : vector<8x512xf32>
    %max3A_355 = arith.maximumf %max3A_345, %min3A_354 : vector<8x512xf32>
    %min3A_356 = arith.minimumf %max3A_345, %min3A_354 : vector<8x512xf32>
    %max3A_357 = arith.maximumf %max3A_347, %min3A_356 : vector<8x512xf32>
    %min3A_358 = arith.minimumf %max3A_347, %min3A_356 : vector<8x512xf32>
    %max3A_359 = arith.maximumf %max3A_349, %min3A_358 : vector<8x512xf32>
    %slice3A_360 = vector.extract_strided_slice %add3A_269 {offsets = [64, 0], sizes = [8, 512], strides = [1, 1]} : vector<100x512xf32> to vector<8x512xf32>
    %max3A_361 = arith.maximumf %max3A_351, %slice3A_360 : vector<8x512xf32>
    %min3A_362 = arith.minimumf %max3A_351, %slice3A_360 : vector<8x512xf32>
    %max3A_363 = arith.maximumf %max3A_353, %min3A_362 : vector<8x512xf32>
    %min3A_364 = arith.minimumf %max3A_353, %min3A_362 : vector<8x512xf32>
    %max3A_365 = arith.maximumf %max3A_355, %min3A_364 : vector<8x512xf32>
    %min3A_366 = arith.minimumf %max3A_355, %min3A_364 : vector<8x512xf32>
    %max3A_367 = arith.maximumf %max3A_357, %min3A_366 : vector<8x512xf32>
    %min3A_368 = arith.minimumf %max3A_357, %min3A_366 : vector<8x512xf32>
    %max3A_369 = arith.maximumf %max3A_359, %min3A_368 : vector<8x512xf32>
    %slice3A_370 = vector.extract_strided_slice %add3A_269 {offsets = [72, 0], sizes = [8, 512], strides = [1, 1]} : vector<100x512xf32> to vector<8x512xf32>
    %max3A_371 = arith.maximumf %max3A_361, %slice3A_370 : vector<8x512xf32>
    %min3A_372 = arith.minimumf %max3A_361, %slice3A_370 : vector<8x512xf32>
    %max3A_373 = arith.maximumf %max3A_363, %min3A_372 : vector<8x512xf32>
    %min3A_374 = arith.minimumf %max3A_363, %min3A_372 : vector<8x512xf32>
    %max3A_375 = arith.maximumf %max3A_365, %min3A_374 : vector<8x512xf32>
    %min3A_376 = arith.minimumf %max3A_365, %min3A_374 : vector<8x512xf32>
    %max3A_377 = arith.maximumf %max3A_367, %min3A_376 : vector<8x512xf32>
    %min3A_378 = arith.minimumf %max3A_367, %min3A_376 : vector<8x512xf32>
    %max3A_379 = arith.maximumf %max3A_369, %min3A_378 : vector<8x512xf32>
    %slice3A_380 = vector.extract_strided_slice %add3A_269 {offsets = [80, 0], sizes = [8, 512], strides = [1, 1]} : vector<100x512xf32> to vector<8x512xf32>
    %max3A_381 = arith.maximumf %max3A_371, %slice3A_380 : vector<8x512xf32>
    %min3A_382 = arith.minimumf %max3A_371, %slice3A_380 : vector<8x512xf32>
    %max3A_383 = arith.maximumf %max3A_373, %min3A_382 : vector<8x512xf32>
    %min3A_384 = arith.minimumf %max3A_373, %min3A_382 : vector<8x512xf32>
    %max3A_385 = arith.maximumf %max3A_375, %min3A_384 : vector<8x512xf32>
    %min3A_386 = arith.minimumf %max3A_375, %min3A_384 : vector<8x512xf32>
    %max3A_387 = arith.maximumf %max3A_377, %min3A_386 : vector<8x512xf32>
    %min3A_388 = arith.minimumf %max3A_377, %min3A_386 : vector<8x512xf32>
    %max3A_389 = arith.maximumf %max3A_379, %min3A_388 : vector<8x512xf32>
    %slice3A_390 = vector.extract_strided_slice %add3A_269 {offsets = [88, 0], sizes = [8, 512], strides = [1, 1]} : vector<100x512xf32> to vector<8x512xf32>
    %max3A_391 = arith.maximumf %max3A_381, %slice3A_390 : vector<8x512xf32>
    %min3A_392 = arith.minimumf %max3A_381, %slice3A_390 : vector<8x512xf32>
    %max3A_393 = arith.maximumf %max3A_383, %min3A_392 : vector<8x512xf32>
    %min3A_394 = arith.minimumf %max3A_383, %min3A_392 : vector<8x512xf32>
    %max3A_395 = arith.maximumf %max3A_385, %min3A_394 : vector<8x512xf32>
    %min3A_396 = arith.minimumf %max3A_385, %min3A_394 : vector<8x512xf32>
    %max3A_397 = arith.maximumf %max3A_387, %min3A_396 : vector<8x512xf32>
    %min3A_398 = arith.minimumf %max3A_387, %min3A_396 : vector<8x512xf32>
    %max3A_399 = arith.maximumf %max3A_389, %min3A_398 : vector<8x512xf32>
    %slice3A_400 = vector.extract_strided_slice %add3A_269 {offsets = [92, 0], sizes = [8, 512], strides = [1, 1]} : vector<100x512xf32> to vector<8x512xf32>
    %lt3A_401 = arith.constant 4 : i32
    %lt3A_402 = vector.broadcast %lt3A_401 : i32 to vector<8x512xi32>
    %lt3A_403 = arith.cmpi slt, %iota3A_24, %lt3A_402 : vector<8x512xi32>
    %jit3A_404 = arith.constant -3.000000e+38 : f32
    %broadcast_in_dim3A_405 = vector.broadcast %jit3A_404 : f32 to vector<8x512xf32>
    %select_n3A_406 = arith.select %lt3A_403, %broadcast_in_dim3A_405, %slice3A_400 : vector<8x512xi1>, vector<8x512xf32>
    %max3A_407 = arith.maximumf %max3A_391, %select_n3A_406 : vector<8x512xf32>
    %min3A_408 = arith.minimumf %max3A_391, %select_n3A_406 : vector<8x512xf32>
    %max3A_409 = arith.maximumf %max3A_393, %min3A_408 : vector<8x512xf32>
    %min3A_410 = arith.minimumf %max3A_393, %min3A_408 : vector<8x512xf32>
    %max3A_411 = arith.maximumf %max3A_395, %min3A_410 : vector<8x512xf32>
    %min3A_412 = arith.minimumf %max3A_395, %min3A_410 : vector<8x512xf32>
    %max3A_413 = arith.maximumf %max3A_397, %min3A_412 : vector<8x512xf32>
    %min3A_414 = arith.minimumf %max3A_397, %min3A_412 : vector<8x512xf32>
    %max3A_415 = arith.maximumf %max3A_399, %min3A_414 : vector<8x512xf32>
    %roll3A_416 = arith.constant 4 : i32
    %roll3A_417 = tpu.dynamic_rotate %max3A_407 by %roll3A_416 dim 0 : vector<8x512xf32>, i32 -> vector<8x512xf32>
    %roll3A_418 = arith.constant 4 : i32
    %roll3A_419 = tpu.dynamic_rotate %max3A_409 by %roll3A_418 dim 0 : vector<8x512xf32>, i32 -> vector<8x512xf32>
    %roll3A_420 = arith.constant 4 : i32
    %roll3A_421 = tpu.dynamic_rotate %max3A_411 by %roll3A_420 dim 0 : vector<8x512xf32>, i32 -> vector<8x512xf32>
    %roll3A_422 = arith.constant 4 : i32
    %roll3A_423 = tpu.dynamic_rotate %max3A_413 by %roll3A_422 dim 0 : vector<8x512xf32>, i32 -> vector<8x512xf32>
    %roll3A_424 = arith.constant 4 : i32
    %roll3A_425 = tpu.dynamic_rotate %max3A_415 by %roll3A_424 dim 0 : vector<8x512xf32>, i32 -> vector<8x512xf32>
    %max3A_426 = arith.maximumf %max3A_407, %roll3A_417 : vector<8x512xf32>
    %max3A_427 = arith.maximumf %max3A_409, %roll3A_419 : vector<8x512xf32>
    %min3A_428 = arith.minimumf %max3A_407, %roll3A_417 : vector<8x512xf32>
    %max3A_429 = arith.maximumf %max3A_427, %min3A_428 : vector<8x512xf32>
    %max3A_430 = arith.maximumf %max3A_411, %roll3A_421 : vector<8x512xf32>
    %min3A_431 = arith.minimumf %max3A_407, %roll3A_419 : vector<8x512xf32>
    %min3A_432 = arith.minimumf %max3A_409, %roll3A_417 : vector<8x512xf32>
    %max3A_433 = arith.maximumf %min3A_431, %min3A_432 : vector<8x512xf32>
    %max3A_434 = arith.maximumf %max3A_430, %max3A_433 : vector<8x512xf32>
    %max3A_435 = arith.maximumf %max3A_413, %roll3A_423 : vector<8x512xf32>
    %min3A_436 = arith.minimumf %max3A_407, %roll3A_421 : vector<8x512xf32>
    %min3A_437 = arith.minimumf %max3A_409, %roll3A_419 : vector<8x512xf32>
    %min3A_438 = arith.minimumf %max3A_411, %roll3A_417 : vector<8x512xf32>
    %max3A_439 = arith.maximumf %min3A_437, %min3A_438 : vector<8x512xf32>
    %max3A_440 = arith.maximumf %min3A_436, %max3A_439 : vector<8x512xf32>
    %max3A_441 = arith.maximumf %max3A_435, %max3A_440 : vector<8x512xf32>
    %max3A_442 = arith.maximumf %max3A_415, %roll3A_425 : vector<8x512xf32>
    %min3A_443 = arith.minimumf %max3A_407, %roll3A_423 : vector<8x512xf32>
    %min3A_444 = arith.minimumf %max3A_409, %roll3A_421 : vector<8x512xf32>
    %max3A_445 = arith.maximumf %min3A_443, %min3A_444 : vector<8x512xf32>
    %min3A_446 = arith.minimumf %max3A_411, %roll3A_419 : vector<8x512xf32>
    %min3A_447 = arith.minimumf %max3A_413, %roll3A_417 : vector<8x512xf32>
    %max3A_448 = arith.maximumf %min3A_446, %min3A_447 : vector<8x512xf32>
    %max3A_449 = arith.maximumf %max3A_445, %max3A_448 : vector<8x512xf32>
    %max3A_450 = arith.maximumf %max3A_442, %max3A_449 : vector<8x512xf32>
    %roll3A_451 = arith.constant 2 : i32
    %roll3A_452 = tpu.dynamic_rotate %max3A_426 by %roll3A_451 dim 0 : vector<8x512xf32>, i32 -> vector<8x512xf32>
    %roll3A_453 = arith.constant 2 : i32
    %roll3A_454 = tpu.dynamic_rotate %max3A_429 by %roll3A_453 dim 0 : vector<8x512xf32>, i32 -> vector<8x512xf32>
    %roll3A_455 = arith.constant 2 : i32
    %roll3A_456 = tpu.dynamic_rotate %max3A_434 by %roll3A_455 dim 0 : vector<8x512xf32>, i32 -> vector<8x512xf32>
    %roll3A_457 = arith.constant 2 : i32
    %roll3A_458 = tpu.dynamic_rotate %max3A_441 by %roll3A_457 dim 0 : vector<8x512xf32>, i32 -> vector<8x512xf32>
    %roll3A_459 = arith.constant 2 : i32
    %roll3A_460 = tpu.dynamic_rotate %max3A_450 by %roll3A_459 dim 0 : vector<8x512xf32>, i32 -> vector<8x512xf32>
    %max3A_461 = arith.maximumf %max3A_426, %roll3A_452 : vector<8x512xf32>
    %max3A_462 = arith.maximumf %max3A_429, %roll3A_454 : vector<8x512xf32>
    %min3A_463 = arith.minimumf %max3A_426, %roll3A_452 : vector<8x512xf32>
    %max3A_464 = arith.maximumf %max3A_462, %min3A_463 : vector<8x512xf32>
    %max3A_465 = arith.maximumf %max3A_434, %roll3A_456 : vector<8x512xf32>
    %min3A_466 = arith.minimumf %max3A_426, %roll3A_454 : vector<8x512xf32>
    %min3A_467 = arith.minimumf %max3A_429, %roll3A_452 : vector<8x512xf32>
    %max3A_468 = arith.maximumf %min3A_466, %min3A_467 : vector<8x512xf32>
    %max3A_469 = arith.maximumf %max3A_465, %max3A_468 : vector<8x512xf32>
    %max3A_470 = arith.maximumf %max3A_441, %roll3A_458 : vector<8x512xf32>
    %min3A_471 = arith.minimumf %max3A_426, %roll3A_456 : vector<8x512xf32>
    %min3A_472 = arith.minimumf %max3A_429, %roll3A_454 : vector<8x512xf32>
    %min3A_473 = arith.minimumf %max3A_434, %roll3A_452 : vector<8x512xf32>
    %max3A_474 = arith.maximumf %min3A_472, %min3A_473 : vector<8x512xf32>
    %max3A_475 = arith.maximumf %min3A_471, %max3A_474 : vector<8x512xf32>
    %max3A_476 = arith.maximumf %max3A_470, %max3A_475 : vector<8x512xf32>
    %max3A_477 = arith.maximumf %max3A_450, %roll3A_460 : vector<8x512xf32>
    %min3A_478 = arith.minimumf %max3A_426, %roll3A_458 : vector<8x512xf32>
    %min3A_479 = arith.minimumf %max3A_429, %roll3A_456 : vector<8x512xf32>
    %max3A_480 = arith.maximumf %min3A_478, %min3A_479 : vector<8x512xf32>
    %min3A_481 = arith.minimumf %max3A_434, %roll3A_454 : vector<8x512xf32>
    %min3A_482 = arith.minimumf %max3A_441, %roll3A_452 : vector<8x512xf32>
    %max3A_483 = arith.maximumf %min3A_481, %min3A_482 : vector<8x512xf32>
    %max3A_484 = arith.maximumf %max3A_480, %max3A_483 : vector<8x512xf32>
    %max3A_485 = arith.maximumf %max3A_477, %max3A_484 : vector<8x512xf32>
    %roll3A_486 = arith.constant 1 : i32
    %roll3A_487 = tpu.dynamic_rotate %max3A_461 by %roll3A_486 dim 0 : vector<8x512xf32>, i32 -> vector<8x512xf32>
    %roll3A_488 = arith.constant 1 : i32
    %roll3A_489 = tpu.dynamic_rotate %max3A_464 by %roll3A_488 dim 0 : vector<8x512xf32>, i32 -> vector<8x512xf32>
    %roll3A_490 = arith.constant 1 : i32
    %roll3A_491 = tpu.dynamic_rotate %max3A_469 by %roll3A_490 dim 0 : vector<8x512xf32>, i32 -> vector<8x512xf32>
    %roll3A_492 = arith.constant 1 : i32
    %roll3A_493 = tpu.dynamic_rotate %max3A_476 by %roll3A_492 dim 0 : vector<8x512xf32>, i32 -> vector<8x512xf32>
    %roll3A_494 = arith.constant 1 : i32
    %roll3A_495 = tpu.dynamic_rotate %max3A_485 by %roll3A_494 dim 0 : vector<8x512xf32>, i32 -> vector<8x512xf32>
    %max3A_496 = arith.maximumf %max3A_485, %roll3A_495 : vector<8x512xf32>
    %min3A_497 = arith.minimumf %max3A_461, %roll3A_493 : vector<8x512xf32>
    %min3A_498 = arith.minimumf %max3A_464, %roll3A_491 : vector<8x512xf32>
    %max3A_499 = arith.maximumf %min3A_497, %min3A_498 : vector<8x512xf32>
    %min3A_500 = arith.minimumf %max3A_469, %roll3A_489 : vector<8x512xf32>
    %min3A_501 = arith.minimumf %max3A_476, %roll3A_487 : vector<8x512xf32>
    %max3A_502 = arith.maximumf %min3A_500, %min3A_501 : vector<8x512xf32>
    %max3A_503 = arith.maximumf %max3A_499, %max3A_502 : vector<8x512xf32>
    %max3A_504 = arith.maximumf %max3A_496, %max3A_503 : vector<8x512xf32>
    %slice3A_505 = vector.extract_strided_slice %max3A_504 {offsets = [0, 0], sizes = [1, 512], strides = [1, 1]} : vector<8x512xf32> to vector<1x512xf32>
    %squeeze3A_506 = vector.shape_cast %slice3A_505 : vector<1x512xf32> to vector<512xf32>
    %add3A_507 = arith.addf %add3A_263, %squeeze3A_506 : vector<512xf32>
    %get3A_508 = arith.constant 2 : index
    %get3A_509 = arith.constant 0 : index
    %get3A_510 = arith.constant 0 : index
    %get3A_511 = vector.load %arg4[%get3A_508, %get3A_509, %get3A_510] : memref<5x100x512xf32, #tpu.memory_space<vmem>>, vector<1x100x512xf32>
    %get3A_512 = vector.shape_cast %get3A_511 : vector<1x100x512xf32> to vector<100x512xf32>
    %add3A_513 = arith.addf %select_n3A, %get3A_512 : vector<100x512xf32>
    %broadcast_in_dim3A_514 = arith.constant -3.000000e+38 : f32
    %broadcast_in_dim3A_515 = vector.broadcast %broadcast_in_dim3A_514 : f32 to vector<8x512xf32>
    %broadcast_in_dim3A_516 = arith.constant -3.000000e+38 : f32
    %broadcast_in_dim3A_517 = vector.broadcast %broadcast_in_dim3A_516 : f32 to vector<8x512xf32>
    %broadcast_in_dim3A_518 = arith.constant -3.000000e+38 : f32
    %broadcast_in_dim3A_519 = vector.broadcast %broadcast_in_dim3A_518 : f32 to vector<8x512xf32>
    %broadcast_in_dim3A_520 = arith.constant -3.000000e+38 : f32
    %broadcast_in_dim3A_521 = vector.broadcast %broadcast_in_dim3A_520 : f32 to vector<8x512xf32>
    %broadcast_in_dim3A_522 = arith.constant -3.000000e+38 : f32
    %broadcast_in_dim3A_523 = vector.broadcast %broadcast_in_dim3A_522 : f32 to vector<8x512xf32>
    %slice3A_524 = vector.extract_strided_slice %add3A_513 {offsets = [0, 0], sizes = [8, 512], strides = [1, 1]} : vector<100x512xf32> to vector<8x512xf32>
    %max3A_525 = arith.maximumf %broadcast_in_dim3A_515, %slice3A_524 : vector<8x512xf32>
    %min3A_526 = arith.minimumf %broadcast_in_dim3A_515, %slice3A_524 : vector<8x512xf32>
    %max3A_527 = arith.maximumf %broadcast_in_dim3A_517, %min3A_526 : vector<8x512xf32>
    %min3A_528 = arith.minimumf %broadcast_in_dim3A_517, %min3A_526 : vector<8x512xf32>
    %max3A_529 = arith.maximumf %broadcast_in_dim3A_519, %min3A_528 : vector<8x512xf32>
    %min3A_530 = arith.minimumf %broadcast_in_dim3A_519, %min3A_528 : vector<8x512xf32>
    %max3A_531 = arith.maximumf %broadcast_in_dim3A_521, %min3A_530 : vector<8x512xf32>
    %min3A_532 = arith.minimumf %broadcast_in_dim3A_521, %min3A_530 : vector<8x512xf32>
    %max3A_533 = arith.maximumf %broadcast_in_dim3A_523, %min3A_532 : vector<8x512xf32>
    %slice3A_534 = vector.extract_strided_slice %add3A_513 {offsets = [8, 0], sizes = [8, 512], strides = [1, 1]} : vector<100x512xf32> to vector<8x512xf32>
    %max3A_535 = arith.maximumf %max3A_525, %slice3A_534 : vector<8x512xf32>
    %min3A_536 = arith.minimumf %max3A_525, %slice3A_534 : vector<8x512xf32>
    %max3A_537 = arith.maximumf %max3A_527, %min3A_536 : vector<8x512xf32>
    %min3A_538 = arith.minimumf %max3A_527, %min3A_536 : vector<8x512xf32>
    %max3A_539 = arith.maximumf %max3A_529, %min3A_538 : vector<8x512xf32>
    %min3A_540 = arith.minimumf %max3A_529, %min3A_538 : vector<8x512xf32>
    %max3A_541 = arith.maximumf %max3A_531, %min3A_540 : vector<8x512xf32>
    %min3A_542 = arith.minimumf %max3A_531, %min3A_540 : vector<8x512xf32>
    %max3A_543 = arith.maximumf %max3A_533, %min3A_542 : vector<8x512xf32>
    %slice3A_544 = vector.extract_strided_slice %add3A_513 {offsets = [16, 0], sizes = [8, 512], strides = [1, 1]} : vector<100x512xf32> to vector<8x512xf32>
    %max3A_545 = arith.maximumf %max3A_535, %slice3A_544 : vector<8x512xf32>
    %min3A_546 = arith.minimumf %max3A_535, %slice3A_544 : vector<8x512xf32>
    %max3A_547 = arith.maximumf %max3A_537, %min3A_546 : vector<8x512xf32>
    %min3A_548 = arith.minimumf %max3A_537, %min3A_546 : vector<8x512xf32>
    %max3A_549 = arith.maximumf %max3A_539, %min3A_548 : vector<8x512xf32>
    %min3A_550 = arith.minimumf %max3A_539, %min3A_548 : vector<8x512xf32>
    %max3A_551 = arith.maximumf %max3A_541, %min3A_550 : vector<8x512xf32>
    %min3A_552 = arith.minimumf %max3A_541, %min3A_550 : vector<8x512xf32>
    %max3A_553 = arith.maximumf %max3A_543, %min3A_552 : vector<8x512xf32>
    %slice3A_554 = vector.extract_strided_slice %add3A_513 {offsets = [24, 0], sizes = [8, 512], strides = [1, 1]} : vector<100x512xf32> to vector<8x512xf32>
    %max3A_555 = arith.maximumf %max3A_545, %slice3A_554 : vector<8x512xf32>
    %min3A_556 = arith.minimumf %max3A_545, %slice3A_554 : vector<8x512xf32>
    %max3A_557 = arith.maximumf %max3A_547, %min3A_556 : vector<8x512xf32>
    %min3A_558 = arith.minimumf %max3A_547, %min3A_556 : vector<8x512xf32>
    %max3A_559 = arith.maximumf %max3A_549, %min3A_558 : vector<8x512xf32>
    %min3A_560 = arith.minimumf %max3A_549, %min3A_558 : vector<8x512xf32>
    %max3A_561 = arith.maximumf %max3A_551, %min3A_560 : vector<8x512xf32>
    %min3A_562 = arith.minimumf %max3A_551, %min3A_560 : vector<8x512xf32>
    %max3A_563 = arith.maximumf %max3A_553, %min3A_562 : vector<8x512xf32>
    %slice3A_564 = vector.extract_strided_slice %add3A_513 {offsets = [32, 0], sizes = [8, 512], strides = [1, 1]} : vector<100x512xf32> to vector<8x512xf32>
    %max3A_565 = arith.maximumf %max3A_555, %slice3A_564 : vector<8x512xf32>
    %min3A_566 = arith.minimumf %max3A_555, %slice3A_564 : vector<8x512xf32>
    %max3A_567 = arith.maximumf %max3A_557, %min3A_566 : vector<8x512xf32>
    %min3A_568 = arith.minimumf %max3A_557, %min3A_566 : vector<8x512xf32>
    %max3A_569 = arith.maximumf %max3A_559, %min3A_568 : vector<8x512xf32>
    %min3A_570 = arith.minimumf %max3A_559, %min3A_568 : vector<8x512xf32>
    %max3A_571 = arith.maximumf %max3A_561, %min3A_570 : vector<8x512xf32>
    %min3A_572 = arith.minimumf %max3A_561, %min3A_570 : vector<8x512xf32>
    %max3A_573 = arith.maximumf %max3A_563, %min3A_572 : vector<8x512xf32>
    %slice3A_574 = vector.extract_strided_slice %add3A_513 {offsets = [40, 0], sizes = [8, 512], strides = [1, 1]} : vector<100x512xf32> to vector<8x512xf32>
    %max3A_575 = arith.maximumf %max3A_565, %slice3A_574 : vector<8x512xf32>
    %min3A_576 = arith.minimumf %max3A_565, %slice3A_574 : vector<8x512xf32>
    %max3A_577 = arith.maximumf %max3A_567, %min3A_576 : vector<8x512xf32>
    %min3A_578 = arith.minimumf %max3A_567, %min3A_576 : vector<8x512xf32>
    %max3A_579 = arith.maximumf %max3A_569, %min3A_578 : vector<8x512xf32>
    %min3A_580 = arith.minimumf %max3A_569, %min3A_578 : vector<8x512xf32>
    %max3A_581 = arith.maximumf %max3A_571, %min3A_580 : vector<8x512xf32>
    %min3A_582 = arith.minimumf %max3A_571, %min3A_580 : vector<8x512xf32>
    %max3A_583 = arith.maximumf %max3A_573, %min3A_582 : vector<8x512xf32>
    %slice3A_584 = vector.extract_strided_slice %add3A_513 {offsets = [48, 0], sizes = [8, 512], strides = [1, 1]} : vector<100x512xf32> to vector<8x512xf32>
    %max3A_585 = arith.maximumf %max3A_575, %slice3A_584 : vector<8x512xf32>
    %min3A_586 = arith.minimumf %max3A_575, %slice3A_584 : vector<8x512xf32>
    %max3A_587 = arith.maximumf %max3A_577, %min3A_586 : vector<8x512xf32>
    %min3A_588 = arith.minimumf %max3A_577, %min3A_586 : vector<8x512xf32>
    %max3A_589 = arith.maximumf %max3A_579, %min3A_588 : vector<8x512xf32>
    %min3A_590 = arith.minimumf %max3A_579, %min3A_588 : vector<8x512xf32>
    %max3A_591 = arith.maximumf %max3A_581, %min3A_590 : vector<8x512xf32>
    %min3A_592 = arith.minimumf %max3A_581, %min3A_590 : vector<8x512xf32>
    %max3A_593 = arith.maximumf %max3A_583, %min3A_592 : vector<8x512xf32>
    %slice3A_594 = vector.extract_strided_slice %add3A_513 {offsets = [56, 0], sizes = [8, 512], strides = [1, 1]} : vector<100x512xf32> to vector<8x512xf32>
    %max3A_595 = arith.maximumf %max3A_585, %slice3A_594 : vector<8x512xf32>
    %min3A_596 = arith.minimumf %max3A_585, %slice3A_594 : vector<8x512xf32>
    %max3A_597 = arith.maximumf %max3A_587, %min3A_596 : vector<8x512xf32>
    %min3A_598 = arith.minimumf %max3A_587, %min3A_596 : vector<8x512xf32>
    %max3A_599 = arith.maximumf %max3A_589, %min3A_598 : vector<8x512xf32>
    %min3A_600 = arith.minimumf %max3A_589, %min3A_598 : vector<8x512xf32>
    %max3A_601 = arith.maximumf %max3A_591, %min3A_600 : vector<8x512xf32>
    %min3A_602 = arith.minimumf %max3A_591, %min3A_600 : vector<8x512xf32>
    %max3A_603 = arith.maximumf %max3A_593, %min3A_602 : vector<8x512xf32>
    %slice3A_604 = vector.extract_strided_slice %add3A_513 {offsets = [64, 0], sizes = [8, 512], strides = [1, 1]} : vector<100x512xf32> to vector<8x512xf32>
    %max3A_605 = arith.maximumf %max3A_595, %slice3A_604 : vector<8x512xf32>
    %min3A_606 = arith.minimumf %max3A_595, %slice3A_604 : vector<8x512xf32>
    %max3A_607 = arith.maximumf %max3A_597, %min3A_606 : vector<8x512xf32>
    %min3A_608 = arith.minimumf %max3A_597, %min3A_606 : vector<8x512xf32>
    %max3A_609 = arith.maximumf %max3A_599, %min3A_608 : vector<8x512xf32>
    %min3A_610 = arith.minimumf %max3A_599, %min3A_608 : vector<8x512xf32>
    %max3A_611 = arith.maximumf %max3A_601, %min3A_610 : vector<8x512xf32>
    %min3A_612 = arith.minimumf %max3A_601, %min3A_610 : vector<8x512xf32>
    %max3A_613 = arith.maximumf %max3A_603, %min3A_612 : vector<8x512xf32>
    %slice3A_614 = vector.extract_strided_slice %add3A_513 {offsets = [72, 0], sizes = [8, 512], strides = [1, 1]} : vector<100x512xf32> to vector<8x512xf32>
    %max3A_615 = arith.maximumf %max3A_605, %slice3A_614 : vector<8x512xf32>
    %min3A_616 = arith.minimumf %max3A_605, %slice3A_614 : vector<8x512xf32>
    %max3A_617 = arith.maximumf %max3A_607, %min3A_616 : vector<8x512xf32>
    %min3A_618 = arith.minimumf %max3A_607, %min3A_616 : vector<8x512xf32>
    %max3A_619 = arith.maximumf %max3A_609, %min3A_618 : vector<8x512xf32>
    %min3A_620 = arith.minimumf %max3A_609, %min3A_618 : vector<8x512xf32>
    %max3A_621 = arith.maximumf %max3A_611, %min3A_620 : vector<8x512xf32>
    %min3A_622 = arith.minimumf %max3A_611, %min3A_620 : vector<8x512xf32>
    %max3A_623 = arith.maximumf %max3A_613, %min3A_622 : vector<8x512xf32>
    %slice3A_624 = vector.extract_strided_slice %add3A_513 {offsets = [80, 0], sizes = [8, 512], strides = [1, 1]} : vector<100x512xf32> to vector<8x512xf32>
    %max3A_625 = arith.maximumf %max3A_615, %slice3A_624 : vector<8x512xf32>
    %min3A_626 = arith.minimumf %max3A_615, %slice3A_624 : vector<8x512xf32>
    %max3A_627 = arith.maximumf %max3A_617, %min3A_626 : vector<8x512xf32>
    %min3A_628 = arith.minimumf %max3A_617, %min3A_626 : vector<8x512xf32>
    %max3A_629 = arith.maximumf %max3A_619, %min3A_628 : vector<8x512xf32>
    %min3A_630 = arith.minimumf %max3A_619, %min3A_628 : vector<8x512xf32>
    %max3A_631 = arith.maximumf %max3A_621, %min3A_630 : vector<8x512xf32>
    %min3A_632 = arith.minimumf %max3A_621, %min3A_630 : vector<8x512xf32>
    %max3A_633 = arith.maximumf %max3A_623, %min3A_632 : vector<8x512xf32>
    %slice3A_634 = vector.extract_strided_slice %add3A_513 {offsets = [88, 0], sizes = [8, 512], strides = [1, 1]} : vector<100x512xf32> to vector<8x512xf32>
    %max3A_635 = arith.maximumf %max3A_625, %slice3A_634 : vector<8x512xf32>
    %min3A_636 = arith.minimumf %max3A_625, %slice3A_634 : vector<8x512xf32>
    %max3A_637 = arith.maximumf %max3A_627, %min3A_636 : vector<8x512xf32>
    %min3A_638 = arith.minimumf %max3A_627, %min3A_636 : vector<8x512xf32>
    %max3A_639 = arith.maximumf %max3A_629, %min3A_638 : vector<8x512xf32>
    %min3A_640 = arith.minimumf %max3A_629, %min3A_638 : vector<8x512xf32>
    %max3A_641 = arith.maximumf %max3A_631, %min3A_640 : vector<8x512xf32>
    %min3A_642 = arith.minimumf %max3A_631, %min3A_640 : vector<8x512xf32>
    %max3A_643 = arith.maximumf %max3A_633, %min3A_642 : vector<8x512xf32>
    %slice3A_644 = vector.extract_strided_slice %add3A_513 {offsets = [92, 0], sizes = [8, 512], strides = [1, 1]} : vector<100x512xf32> to vector<8x512xf32>
    %lt3A_645 = arith.constant 4 : i32
    %lt3A_646 = vector.broadcast %lt3A_645 : i32 to vector<8x512xi32>
    %lt3A_647 = arith.cmpi slt, %iota3A_24, %lt3A_646 : vector<8x512xi32>
    %jit3A_648 = arith.constant -3.000000e+38 : f32
    %broadcast_in_dim3A_649 = vector.broadcast %jit3A_648 : f32 to vector<8x512xf32>
    %select_n3A_650 = arith.select %lt3A_647, %broadcast_in_dim3A_649, %slice3A_644 : vector<8x512xi1>, vector<8x512xf32>
    %max3A_651 = arith.maximumf %max3A_635, %select_n3A_650 : vector<8x512xf32>
    %min3A_652 = arith.minimumf %max3A_635, %select_n3A_650 : vector<8x512xf32>
    %max3A_653 = arith.maximumf %max3A_637, %min3A_652 : vector<8x512xf32>
    %min3A_654 = arith.minimumf %max3A_637, %min3A_652 : vector<8x512xf32>
    %max3A_655 = arith.maximumf %max3A_639, %min3A_654 : vector<8x512xf32>
    %min3A_656 = arith.minimumf %max3A_639, %min3A_654 : vector<8x512xf32>
    %max3A_657 = arith.maximumf %max3A_641, %min3A_656 : vector<8x512xf32>
    %min3A_658 = arith.minimumf %max3A_641, %min3A_656 : vector<8x512xf32>
    %max3A_659 = arith.maximumf %max3A_643, %min3A_658 : vector<8x512xf32>
    %roll3A_660 = arith.constant 4 : i32
    %roll3A_661 = tpu.dynamic_rotate %max3A_651 by %roll3A_660 dim 0 : vector<8x512xf32>, i32 -> vector<8x512xf32>
    %roll3A_662 = arith.constant 4 : i32
    %roll3A_663 = tpu.dynamic_rotate %max3A_653 by %roll3A_662 dim 0 : vector<8x512xf32>, i32 -> vector<8x512xf32>
    %roll3A_664 = arith.constant 4 : i32
    %roll3A_665 = tpu.dynamic_rotate %max3A_655 by %roll3A_664 dim 0 : vector<8x512xf32>, i32 -> vector<8x512xf32>
    %roll3A_666 = arith.constant 4 : i32
    %roll3A_667 = tpu.dynamic_rotate %max3A_657 by %roll3A_666 dim 0 : vector<8x512xf32>, i32 -> vector<8x512xf32>
    %roll3A_668 = arith.constant 4 : i32
    %roll3A_669 = tpu.dynamic_rotate %max3A_659 by %roll3A_668 dim 0 : vector<8x512xf32>, i32 -> vector<8x512xf32>
    %max3A_670 = arith.maximumf %max3A_651, %roll3A_661 : vector<8x512xf32>
    %max3A_671 = arith.maximumf %max3A_653, %roll3A_663 : vector<8x512xf32>
    %min3A_672 = arith.minimumf %max3A_651, %roll3A_661 : vector<8x512xf32>
    %max3A_673 = arith.maximumf %max3A_671, %min3A_672 : vector<8x512xf32>
    %max3A_674 = arith.maximumf %max3A_655, %roll3A_665 : vector<8x512xf32>
    %min3A_675 = arith.minimumf %max3A_651, %roll3A_663 : vector<8x512xf32>
    %min3A_676 = arith.minimumf %max3A_653, %roll3A_661 : vector<8x512xf32>
    %max3A_677 = arith.maximumf %min3A_675, %min3A_676 : vector<8x512xf32>
    %max3A_678 = arith.maximumf %max3A_674, %max3A_677 : vector<8x512xf32>
    %max3A_679 = arith.maximumf %max3A_657, %roll3A_667 : vector<8x512xf32>
    %min3A_680 = arith.minimumf %max3A_651, %roll3A_665 : vector<8x512xf32>
    %min3A_681 = arith.minimumf %max3A_653, %roll3A_663 : vector<8x512xf32>
    %min3A_682 = arith.minimumf %max3A_655, %roll3A_661 : vector<8x512xf32>
    %max3A_683 = arith.maximumf %min3A_681, %min3A_682 : vector<8x512xf32>
    %max3A_684 = arith.maximumf %min3A_680, %max3A_683 : vector<8x512xf32>
    %max3A_685 = arith.maximumf %max3A_679, %max3A_684 : vector<8x512xf32>
    %max3A_686 = arith.maximumf %max3A_659, %roll3A_669 : vector<8x512xf32>
    %min3A_687 = arith.minimumf %max3A_651, %roll3A_667 : vector<8x512xf32>
    %min3A_688 = arith.minimumf %max3A_653, %roll3A_665 : vector<8x512xf32>
    %max3A_689 = arith.maximumf %min3A_687, %min3A_688 : vector<8x512xf32>
    %min3A_690 = arith.minimumf %max3A_655, %roll3A_663 : vector<8x512xf32>
    %min3A_691 = arith.minimumf %max3A_657, %roll3A_661 : vector<8x512xf32>
    %max3A_692 = arith.maximumf %min3A_690, %min3A_691 : vector<8x512xf32>
    %max3A_693 = arith.maximumf %max3A_689, %max3A_692 : vector<8x512xf32>
    %max3A_694 = arith.maximumf %max3A_686, %max3A_693 : vector<8x512xf32>
    %roll3A_695 = arith.constant 2 : i32
    %roll3A_696 = tpu.dynamic_rotate %max3A_670 by %roll3A_695 dim 0 : vector<8x512xf32>, i32 -> vector<8x512xf32>
    %roll3A_697 = arith.constant 2 : i32
    %roll3A_698 = tpu.dynamic_rotate %max3A_673 by %roll3A_697 dim 0 : vector<8x512xf32>, i32 -> vector<8x512xf32>
    %roll3A_699 = arith.constant 2 : i32
    %roll3A_700 = tpu.dynamic_rotate %max3A_678 by %roll3A_699 dim 0 : vector<8x512xf32>, i32 -> vector<8x512xf32>
    %roll3A_701 = arith.constant 2 : i32
    %roll3A_702 = tpu.dynamic_rotate %max3A_685 by %roll3A_701 dim 0 : vector<8x512xf32>, i32 -> vector<8x512xf32>
    %roll3A_703 = arith.constant 2 : i32
    %roll3A_704 = tpu.dynamic_rotate %max3A_694 by %roll3A_703 dim 0 : vector<8x512xf32>, i32 -> vector<8x512xf32>
    %max3A_705 = arith.maximumf %max3A_670, %roll3A_696 : vector<8x512xf32>
    %max3A_706 = arith.maximumf %max3A_673, %roll3A_698 : vector<8x512xf32>
    %min3A_707 = arith.minimumf %max3A_670, %roll3A_696 : vector<8x512xf32>
    %max3A_708 = arith.maximumf %max3A_706, %min3A_707 : vector<8x512xf32>
    %max3A_709 = arith.maximumf %max3A_678, %roll3A_700 : vector<8x512xf32>
    %min3A_710 = arith.minimumf %max3A_670, %roll3A_698 : vector<8x512xf32>
    %min3A_711 = arith.minimumf %max3A_673, %roll3A_696 : vector<8x512xf32>
    %max3A_712 = arith.maximumf %min3A_710, %min3A_711 : vector<8x512xf32>
    %max3A_713 = arith.maximumf %max3A_709, %max3A_712 : vector<8x512xf32>
    %max3A_714 = arith.maximumf %max3A_685, %roll3A_702 : vector<8x512xf32>
    %min3A_715 = arith.minimumf %max3A_670, %roll3A_700 : vector<8x512xf32>
    %min3A_716 = arith.minimumf %max3A_673, %roll3A_698 : vector<8x512xf32>
    %min3A_717 = arith.minimumf %max3A_678, %roll3A_696 : vector<8x512xf32>
    %max3A_718 = arith.maximumf %min3A_716, %min3A_717 : vector<8x512xf32>
    %max3A_719 = arith.maximumf %min3A_715, %max3A_718 : vector<8x512xf32>
    %max3A_720 = arith.maximumf %max3A_714, %max3A_719 : vector<8x512xf32>
    %max3A_721 = arith.maximumf %max3A_694, %roll3A_704 : vector<8x512xf32>
    %min3A_722 = arith.minimumf %max3A_670, %roll3A_702 : vector<8x512xf32>
    %min3A_723 = arith.minimumf %max3A_673, %roll3A_700 : vector<8x512xf32>
    %max3A_724 = arith.maximumf %min3A_722, %min3A_723 : vector<8x512xf32>
    %min3A_725 = arith.minimumf %max3A_678, %roll3A_698 : vector<8x512xf32>
    %min3A_726 = arith.minimumf %max3A_685, %roll3A_696 : vector<8x512xf32>
    %max3A_727 = arith.maximumf %min3A_725, %min3A_726 : vector<8x512xf32>
    %max3A_728 = arith.maximumf %max3A_724, %max3A_727 : vector<8x512xf32>
    %max3A_729 = arith.maximumf %max3A_721, %max3A_728 : vector<8x512xf32>
    %roll3A_730 = arith.constant 1 : i32
    %roll3A_731 = tpu.dynamic_rotate %max3A_705 by %roll3A_730 dim 0 : vector<8x512xf32>, i32 -> vector<8x512xf32>
    %roll3A_732 = arith.constant 1 : i32
    %roll3A_733 = tpu.dynamic_rotate %max3A_708 by %roll3A_732 dim 0 : vector<8x512xf32>, i32 -> vector<8x512xf32>
    %roll3A_734 = arith.constant 1 : i32
    %roll3A_735 = tpu.dynamic_rotate %max3A_713 by %roll3A_734 dim 0 : vector<8x512xf32>, i32 -> vector<8x512xf32>
    %roll3A_736 = arith.constant 1 : i32
    %roll3A_737 = tpu.dynamic_rotate %max3A_720 by %roll3A_736 dim 0 : vector<8x512xf32>, i32 -> vector<8x512xf32>
    %roll3A_738 = arith.constant 1 : i32
    %roll3A_739 = tpu.dynamic_rotate %max3A_729 by %roll3A_738 dim 0 : vector<8x512xf32>, i32 -> vector<8x512xf32>
    %max3A_740 = arith.maximumf %max3A_729, %roll3A_739 : vector<8x512xf32>
    %min3A_741 = arith.minimumf %max3A_705, %roll3A_737 : vector<8x512xf32>
    %min3A_742 = arith.minimumf %max3A_708, %roll3A_735 : vector<8x512xf32>
    %max3A_743 = arith.maximumf %min3A_741, %min3A_742 : vector<8x512xf32>
    %min3A_744 = arith.minimumf %max3A_713, %roll3A_733 : vector<8x512xf32>
    %min3A_745 = arith.minimumf %max3A_720, %roll3A_731 : vector<8x512xf32>
    %max3A_746 = arith.maximumf %min3A_744, %min3A_745 : vector<8x512xf32>
    %max3A_747 = arith.maximumf %max3A_743, %max3A_746 : vector<8x512xf32>
    %max3A_748 = arith.maximumf %max3A_740, %max3A_747 : vector<8x512xf32>
    %slice3A_749 = vector.extract_strided_slice %max3A_748 {offsets = [0, 0], sizes = [1, 512], strides = [1, 1]} : vector<8x512xf32> to vector<1x512xf32>
    %squeeze3A_750 = vector.shape_cast %slice3A_749 : vector<1x512xf32> to vector<512xf32>
    %add3A_751 = arith.addf %add3A_507, %squeeze3A_750 : vector<512xf32>
    %get3A_752 = arith.constant 3 : index
    %get3A_753 = arith.constant 0 : index
    %get3A_754 = arith.constant 0 : index
    %get3A_755 = vector.load %arg4[%get3A_752, %get3A_753, %get3A_754] : memref<5x100x512xf32, #tpu.memory_space<vmem>>, vector<1x100x512xf32>
    %get3A_756 = vector.shape_cast %get3A_755 : vector<1x100x512xf32> to vector<100x512xf32>
    %add3A_757 = arith.addf %select_n3A, %get3A_756 : vector<100x512xf32>
    %broadcast_in_dim3A_758 = arith.constant -3.000000e+38 : f32
    %broadcast_in_dim3A_759 = vector.broadcast %broadcast_in_dim3A_758 : f32 to vector<8x512xf32>
    %broadcast_in_dim3A_760 = arith.constant -3.000000e+38 : f32
    %broadcast_in_dim3A_761 = vector.broadcast %broadcast_in_dim3A_760 : f32 to vector<8x512xf32>
    %broadcast_in_dim3A_762 = arith.constant -3.000000e+38 : f32
    %broadcast_in_dim3A_763 = vector.broadcast %broadcast_in_dim3A_762 : f32 to vector<8x512xf32>
    %broadcast_in_dim3A_764 = arith.constant -3.000000e+38 : f32
    %broadcast_in_dim3A_765 = vector.broadcast %broadcast_in_dim3A_764 : f32 to vector<8x512xf32>
    %broadcast_in_dim3A_766 = arith.constant -3.000000e+38 : f32
    %broadcast_in_dim3A_767 = vector.broadcast %broadcast_in_dim3A_766 : f32 to vector<8x512xf32>
    %slice3A_768 = vector.extract_strided_slice %add3A_757 {offsets = [0, 0], sizes = [8, 512], strides = [1, 1]} : vector<100x512xf32> to vector<8x512xf32>
    %max3A_769 = arith.maximumf %broadcast_in_dim3A_759, %slice3A_768 : vector<8x512xf32>
    %min3A_770 = arith.minimumf %broadcast_in_dim3A_759, %slice3A_768 : vector<8x512xf32>
    %max3A_771 = arith.maximumf %broadcast_in_dim3A_761, %min3A_770 : vector<8x512xf32>
    %min3A_772 = arith.minimumf %broadcast_in_dim3A_761, %min3A_770 : vector<8x512xf32>
    %max3A_773 = arith.maximumf %broadcast_in_dim3A_763, %min3A_772 : vector<8x512xf32>
    %min3A_774 = arith.minimumf %broadcast_in_dim3A_763, %min3A_772 : vector<8x512xf32>
    %max3A_775 = arith.maximumf %broadcast_in_dim3A_765, %min3A_774 : vector<8x512xf32>
    %min3A_776 = arith.minimumf %broadcast_in_dim3A_765, %min3A_774 : vector<8x512xf32>
    %max3A_777 = arith.maximumf %broadcast_in_dim3A_767, %min3A_776 : vector<8x512xf32>
    %slice3A_778 = vector.extract_strided_slice %add3A_757 {offsets = [8, 0], sizes = [8, 512], strides = [1, 1]} : vector<100x512xf32> to vector<8x512xf32>
    %max3A_779 = arith.maximumf %max3A_769, %slice3A_778 : vector<8x512xf32>
    %min3A_780 = arith.minimumf %max3A_769, %slice3A_778 : vector<8x512xf32>
    %max3A_781 = arith.maximumf %max3A_771, %min3A_780 : vector<8x512xf32>
    %min3A_782 = arith.minimumf %max3A_771, %min3A_780 : vector<8x512xf32>
    %max3A_783 = arith.maximumf %max3A_773, %min3A_782 : vector<8x512xf32>
    %min3A_784 = arith.minimumf %max3A_773, %min3A_782 : vector<8x512xf32>
    %max3A_785 = arith.maximumf %max3A_775, %min3A_784 : vector<8x512xf32>
    %min3A_786 = arith.minimumf %max3A_775, %min3A_784 : vector<8x512xf32>
    %max3A_787 = arith.maximumf %max3A_777, %min3A_786 : vector<8x512xf32>
    %slice3A_788 = vector.extract_strided_slice %add3A_757 {offsets = [16, 0], sizes = [8, 512], strides = [1, 1]} : vector<100x512xf32> to vector<8x512xf32>
    %max3A_789 = arith.maximumf %max3A_779, %slice3A_788 : vector<8x512xf32>
    %min3A_790 = arith.minimumf %max3A_779, %slice3A_788 : vector<8x512xf32>
    %max3A_791 = arith.maximumf %max3A_781, %min3A_790 : vector<8x512xf32>
    %min3A_792 = arith.minimumf %max3A_781, %min3A_790 : vector<8x512xf32>
    %max3A_793 = arith.maximumf %max3A_783, %min3A_792 : vector<8x512xf32>
    %min3A_794 = arith.minimumf %max3A_783, %min3A_792 : vector<8x512xf32>
    %max3A_795 = arith.maximumf %max3A_785, %min3A_794 : vector<8x512xf32>
    %min3A_796 = arith.minimumf %max3A_785, %min3A_794 : vector<8x512xf32>
    %max3A_797 = arith.maximumf %max3A_787, %min3A_796 : vector<8x512xf32>
    %slice3A_798 = vector.extract_strided_slice %add3A_757 {offsets = [24, 0], sizes = [8, 512], strides = [1, 1]} : vector<100x512xf32> to vector<8x512xf32>
    %max3A_799 = arith.maximumf %max3A_789, %slice3A_798 : vector<8x512xf32>
    %min3A_800 = arith.minimumf %max3A_789, %slice3A_798 : vector<8x512xf32>
    %max3A_801 = arith.maximumf %max3A_791, %min3A_800 : vector<8x512xf32>
    %min3A_802 = arith.minimumf %max3A_791, %min3A_800 : vector<8x512xf32>
    %max3A_803 = arith.maximumf %max3A_793, %min3A_802 : vector<8x512xf32>
    %min3A_804 = arith.minimumf %max3A_793, %min3A_802 : vector<8x512xf32>
    %max3A_805 = arith.maximumf %max3A_795, %min3A_804 : vector<8x512xf32>
    %min3A_806 = arith.minimumf %max3A_795, %min3A_804 : vector<8x512xf32>
    %max3A_807 = arith.maximumf %max3A_797, %min3A_806 : vector<8x512xf32>
    %slice3A_808 = vector.extract_strided_slice %add3A_757 {offsets = [32, 0], sizes = [8, 512], strides = [1, 1]} : vector<100x512xf32> to vector<8x512xf32>
    %max3A_809 = arith.maximumf %max3A_799, %slice3A_808 : vector<8x512xf32>
    %min3A_810 = arith.minimumf %max3A_799, %slice3A_808 : vector<8x512xf32>
    %max3A_811 = arith.maximumf %max3A_801, %min3A_810 : vector<8x512xf32>
    %min3A_812 = arith.minimumf %max3A_801, %min3A_810 : vector<8x512xf32>
    %max3A_813 = arith.maximumf %max3A_803, %min3A_812 : vector<8x512xf32>
    %min3A_814 = arith.minimumf %max3A_803, %min3A_812 : vector<8x512xf32>
    %max3A_815 = arith.maximumf %max3A_805, %min3A_814 : vector<8x512xf32>
    %min3A_816 = arith.minimumf %max3A_805, %min3A_814 : vector<8x512xf32>
    %max3A_817 = arith.maximumf %max3A_807, %min3A_816 : vector<8x512xf32>
    %slice3A_818 = vector.extract_strided_slice %add3A_757 {offsets = [40, 0], sizes = [8, 512], strides = [1, 1]} : vector<100x512xf32> to vector<8x512xf32>
    %max3A_819 = arith.maximumf %max3A_809, %slice3A_818 : vector<8x512xf32>
    %min3A_820 = arith.minimumf %max3A_809, %slice3A_818 : vector<8x512xf32>
    %max3A_821 = arith.maximumf %max3A_811, %min3A_820 : vector<8x512xf32>
    %min3A_822 = arith.minimumf %max3A_811, %min3A_820 : vector<8x512xf32>
    %max3A_823 = arith.maximumf %max3A_813, %min3A_822 : vector<8x512xf32>
    %min3A_824 = arith.minimumf %max3A_813, %min3A_822 : vector<8x512xf32>
    %max3A_825 = arith.maximumf %max3A_815, %min3A_824 : vector<8x512xf32>
    %min3A_826 = arith.minimumf %max3A_815, %min3A_824 : vector<8x512xf32>
    %max3A_827 = arith.maximumf %max3A_817, %min3A_826 : vector<8x512xf32>
    %slice3A_828 = vector.extract_strided_slice %add3A_757 {offsets = [48, 0], sizes = [8, 512], strides = [1, 1]} : vector<100x512xf32> to vector<8x512xf32>
    %max3A_829 = arith.maximumf %max3A_819, %slice3A_828 : vector<8x512xf32>
    %min3A_830 = arith.minimumf %max3A_819, %slice3A_828 : vector<8x512xf32>
    %max3A_831 = arith.maximumf %max3A_821, %min3A_830 : vector<8x512xf32>
    %min3A_832 = arith.minimumf %max3A_821, %min3A_830 : vector<8x512xf32>
    %max3A_833 = arith.maximumf %max3A_823, %min3A_832 : vector<8x512xf32>
    %min3A_834 = arith.minimumf %max3A_823, %min3A_832 : vector<8x512xf32>
    %max3A_835 = arith.maximumf %max3A_825, %min3A_834 : vector<8x512xf32>
    %min3A_836 = arith.minimumf %max3A_825, %min3A_834 : vector<8x512xf32>
    %max3A_837 = arith.maximumf %max3A_827, %min3A_836 : vector<8x512xf32>
    %slice3A_838 = vector.extract_strided_slice %add3A_757 {offsets = [56, 0], sizes = [8, 512], strides = [1, 1]} : vector<100x512xf32> to vector<8x512xf32>
    %max3A_839 = arith.maximumf %max3A_829, %slice3A_838 : vector<8x512xf32>
    %min3A_840 = arith.minimumf %max3A_829, %slice3A_838 : vector<8x512xf32>
    %max3A_841 = arith.maximumf %max3A_831, %min3A_840 : vector<8x512xf32>
    %min3A_842 = arith.minimumf %max3A_831, %min3A_840 : vector<8x512xf32>
    %max3A_843 = arith.maximumf %max3A_833, %min3A_842 : vector<8x512xf32>
    %min3A_844 = arith.minimumf %max3A_833, %min3A_842 : vector<8x512xf32>
    %max3A_845 = arith.maximumf %max3A_835, %min3A_844 : vector<8x512xf32>
    %min3A_846 = arith.minimumf %max3A_835, %min3A_844 : vector<8x512xf32>
    %max3A_847 = arith.maximumf %max3A_837, %min3A_846 : vector<8x512xf32>
    %slice3A_848 = vector.extract_strided_slice %add3A_757 {offsets = [64, 0], sizes = [8, 512], strides = [1, 1]} : vector<100x512xf32> to vector<8x512xf32>
    %max3A_849 = arith.maximumf %max3A_839, %slice3A_848 : vector<8x512xf32>
    %min3A_850 = arith.minimumf %max3A_839, %slice3A_848 : vector<8x512xf32>
    %max3A_851 = arith.maximumf %max3A_841, %min3A_850 : vector<8x512xf32>
    %min3A_852 = arith.minimumf %max3A_841, %min3A_850 : vector<8x512xf32>
    %max3A_853 = arith.maximumf %max3A_843, %min3A_852 : vector<8x512xf32>
    %min3A_854 = arith.minimumf %max3A_843, %min3A_852 : vector<8x512xf32>
    %max3A_855 = arith.maximumf %max3A_845, %min3A_854 : vector<8x512xf32>
    %min3A_856 = arith.minimumf %max3A_845, %min3A_854 : vector<8x512xf32>
    %max3A_857 = arith.maximumf %max3A_847, %min3A_856 : vector<8x512xf32>
    %slice3A_858 = vector.extract_strided_slice %add3A_757 {offsets = [72, 0], sizes = [8, 512], strides = [1, 1]} : vector<100x512xf32> to vector<8x512xf32>
    %max3A_859 = arith.maximumf %max3A_849, %slice3A_858 : vector<8x512xf32>
    %min3A_860 = arith.minimumf %max3A_849, %slice3A_858 : vector<8x512xf32>
    %max3A_861 = arith.maximumf %max3A_851, %min3A_860 : vector<8x512xf32>
    %min3A_862 = arith.minimumf %max3A_851, %min3A_860 : vector<8x512xf32>
    %max3A_863 = arith.maximumf %max3A_853, %min3A_862 : vector<8x512xf32>
    %min3A_864 = arith.minimumf %max3A_853, %min3A_862 : vector<8x512xf32>
    %max3A_865 = arith.maximumf %max3A_855, %min3A_864 : vector<8x512xf32>
    %min3A_866 = arith.minimumf %max3A_855, %min3A_864 : vector<8x512xf32>
    %max3A_867 = arith.maximumf %max3A_857, %min3A_866 : vector<8x512xf32>
    %slice3A_868 = vector.extract_strided_slice %add3A_757 {offsets = [80, 0], sizes = [8, 512], strides = [1, 1]} : vector<100x512xf32> to vector<8x512xf32>
    %max3A_869 = arith.maximumf %max3A_859, %slice3A_868 : vector<8x512xf32>
    %min3A_870 = arith.minimumf %max3A_859, %slice3A_868 : vector<8x512xf32>
    %max3A_871 = arith.maximumf %max3A_861, %min3A_870 : vector<8x512xf32>
    %min3A_872 = arith.minimumf %max3A_861, %min3A_870 : vector<8x512xf32>
    %max3A_873 = arith.maximumf %max3A_863, %min3A_872 : vector<8x512xf32>
    %min3A_874 = arith.minimumf %max3A_863, %min3A_872 : vector<8x512xf32>
    %max3A_875 = arith.maximumf %max3A_865, %min3A_874 : vector<8x512xf32>
    %min3A_876 = arith.minimumf %max3A_865, %min3A_874 : vector<8x512xf32>
    %max3A_877 = arith.maximumf %max3A_867, %min3A_876 : vector<8x512xf32>
    %slice3A_878 = vector.extract_strided_slice %add3A_757 {offsets = [88, 0], sizes = [8, 512], strides = [1, 1]} : vector<100x512xf32> to vector<8x512xf32>
    %max3A_879 = arith.maximumf %max3A_869, %slice3A_878 : vector<8x512xf32>
    %min3A_880 = arith.minimumf %max3A_869, %slice3A_878 : vector<8x512xf32>
    %max3A_881 = arith.maximumf %max3A_871, %min3A_880 : vector<8x512xf32>
    %min3A_882 = arith.minimumf %max3A_871, %min3A_880 : vector<8x512xf32>
    %max3A_883 = arith.maximumf %max3A_873, %min3A_882 : vector<8x512xf32>
    %min3A_884 = arith.minimumf %max3A_873, %min3A_882 : vector<8x512xf32>
    %max3A_885 = arith.maximumf %max3A_875, %min3A_884 : vector<8x512xf32>
    %min3A_886 = arith.minimumf %max3A_875, %min3A_884 : vector<8x512xf32>
    %max3A_887 = arith.maximumf %max3A_877, %min3A_886 : vector<8x512xf32>
    %slice3A_888 = vector.extract_strided_slice %add3A_757 {offsets = [92, 0], sizes = [8, 512], strides = [1, 1]} : vector<100x512xf32> to vector<8x512xf32>
    %lt3A_889 = arith.constant 4 : i32
    %lt3A_890 = vector.broadcast %lt3A_889 : i32 to vector<8x512xi32>
    %lt3A_891 = arith.cmpi slt, %iota3A_24, %lt3A_890 : vector<8x512xi32>
    %jit3A_892 = arith.constant -3.000000e+38 : f32
    %broadcast_in_dim3A_893 = vector.broadcast %jit3A_892 : f32 to vector<8x512xf32>
    %select_n3A_894 = arith.select %lt3A_891, %broadcast_in_dim3A_893, %slice3A_888 : vector<8x512xi1>, vector<8x512xf32>
    %max3A_895 = arith.maximumf %max3A_879, %select_n3A_894 : vector<8x512xf32>
    %min3A_896 = arith.minimumf %max3A_879, %select_n3A_894 : vector<8x512xf32>
    %max3A_897 = arith.maximumf %max3A_881, %min3A_896 : vector<8x512xf32>
    %min3A_898 = arith.minimumf %max3A_881, %min3A_896 : vector<8x512xf32>
    %max3A_899 = arith.maximumf %max3A_883, %min3A_898 : vector<8x512xf32>
    %min3A_900 = arith.minimumf %max3A_883, %min3A_898 : vector<8x512xf32>
    %max3A_901 = arith.maximumf %max3A_885, %min3A_900 : vector<8x512xf32>
    %min3A_902 = arith.minimumf %max3A_885, %min3A_900 : vector<8x512xf32>
    %max3A_903 = arith.maximumf %max3A_887, %min3A_902 : vector<8x512xf32>
    %roll3A_904 = arith.constant 4 : i32
    %roll3A_905 = tpu.dynamic_rotate %max3A_895 by %roll3A_904 dim 0 : vector<8x512xf32>, i32 -> vector<8x512xf32>
    %roll3A_906 = arith.constant 4 : i32
    %roll3A_907 = tpu.dynamic_rotate %max3A_897 by %roll3A_906 dim 0 : vector<8x512xf32>, i32 -> vector<8x512xf32>
    %roll3A_908 = arith.constant 4 : i32
    %roll3A_909 = tpu.dynamic_rotate %max3A_899 by %roll3A_908 dim 0 : vector<8x512xf32>, i32 -> vector<8x512xf32>
    %roll3A_910 = arith.constant 4 : i32
    %roll3A_911 = tpu.dynamic_rotate %max3A_901 by %roll3A_910 dim 0 : vector<8x512xf32>, i32 -> vector<8x512xf32>
    %roll3A_912 = arith.constant 4 : i32
    %roll3A_913 = tpu.dynamic_rotate %max3A_903 by %roll3A_912 dim 0 : vector<8x512xf32>, i32 -> vector<8x512xf32>
    %max3A_914 = arith.maximumf %max3A_895, %roll3A_905 : vector<8x512xf32>
    %max3A_915 = arith.maximumf %max3A_897, %roll3A_907 : vector<8x512xf32>
    %min3A_916 = arith.minimumf %max3A_895, %roll3A_905 : vector<8x512xf32>
    %max3A_917 = arith.maximumf %max3A_915, %min3A_916 : vector<8x512xf32>
    %max3A_918 = arith.maximumf %max3A_899, %roll3A_909 : vector<8x512xf32>
    %min3A_919 = arith.minimumf %max3A_895, %roll3A_907 : vector<8x512xf32>
    %min3A_920 = arith.minimumf %max3A_897, %roll3A_905 : vector<8x512xf32>
    %max3A_921 = arith.maximumf %min3A_919, %min3A_920 : vector<8x512xf32>
    %max3A_922 = arith.maximumf %max3A_918, %max3A_921 : vector<8x512xf32>
    %max3A_923 = arith.maximumf %max3A_901, %roll3A_911 : vector<8x512xf32>
    %min3A_924 = arith.minimumf %max3A_895, %roll3A_909 : vector<8x512xf32>
    %min3A_925 = arith.minimumf %max3A_897, %roll3A_907 : vector<8x512xf32>
    %min3A_926 = arith.minimumf %max3A_899, %roll3A_905 : vector<8x512xf32>
    %max3A_927 = arith.maximumf %min3A_925, %min3A_926 : vector<8x512xf32>
    %max3A_928 = arith.maximumf %min3A_924, %max3A_927 : vector<8x512xf32>
    %max3A_929 = arith.maximumf %max3A_923, %max3A_928 : vector<8x512xf32>
    %max3A_930 = arith.maximumf %max3A_903, %roll3A_913 : vector<8x512xf32>
    %min3A_931 = arith.minimumf %max3A_895, %roll3A_911 : vector<8x512xf32>
    %min3A_932 = arith.minimumf %max3A_897, %roll3A_909 : vector<8x512xf32>
    %max3A_933 = arith.maximumf %min3A_931, %min3A_932 : vector<8x512xf32>
    %min3A_934 = arith.minimumf %max3A_899, %roll3A_907 : vector<8x512xf32>
    %min3A_935 = arith.minimumf %max3A_901, %roll3A_905 : vector<8x512xf32>
    %max3A_936 = arith.maximumf %min3A_934, %min3A_935 : vector<8x512xf32>
    %max3A_937 = arith.maximumf %max3A_933, %max3A_936 : vector<8x512xf32>
    %max3A_938 = arith.maximumf %max3A_930, %max3A_937 : vector<8x512xf32>
    %roll3A_939 = arith.constant 2 : i32
    %roll3A_940 = tpu.dynamic_rotate %max3A_914 by %roll3A_939 dim 0 : vector<8x512xf32>, i32 -> vector<8x512xf32>
    %roll3A_941 = arith.constant 2 : i32
    %roll3A_942 = tpu.dynamic_rotate %max3A_917 by %roll3A_941 dim 0 : vector<8x512xf32>, i32 -> vector<8x512xf32>
    %roll3A_943 = arith.constant 2 : i32
    %roll3A_944 = tpu.dynamic_rotate %max3A_922 by %roll3A_943 dim 0 : vector<8x512xf32>, i32 -> vector<8x512xf32>
    %roll3A_945 = arith.constant 2 : i32
    %roll3A_946 = tpu.dynamic_rotate %max3A_929 by %roll3A_945 dim 0 : vector<8x512xf32>, i32 -> vector<8x512xf32>
    %roll3A_947 = arith.constant 2 : i32
    %roll3A_948 = tpu.dynamic_rotate %max3A_938 by %roll3A_947 dim 0 : vector<8x512xf32>, i32 -> vector<8x512xf32>
    %max3A_949 = arith.maximumf %max3A_914, %roll3A_940 : vector<8x512xf32>
    %max3A_950 = arith.maximumf %max3A_917, %roll3A_942 : vector<8x512xf32>
    %min3A_951 = arith.minimumf %max3A_914, %roll3A_940 : vector<8x512xf32>
    %max3A_952 = arith.maximumf %max3A_950, %min3A_951 : vector<8x512xf32>
    %max3A_953 = arith.maximumf %max3A_922, %roll3A_944 : vector<8x512xf32>
    %min3A_954 = arith.minimumf %max3A_914, %roll3A_942 : vector<8x512xf32>
    %min3A_955 = arith.minimumf %max3A_917, %roll3A_940 : vector<8x512xf32>
    %max3A_956 = arith.maximumf %min3A_954, %min3A_955 : vector<8x512xf32>
    %max3A_957 = arith.maximumf %max3A_953, %max3A_956 : vector<8x512xf32>
    %max3A_958 = arith.maximumf %max3A_929, %roll3A_946 : vector<8x512xf32>
    %min3A_959 = arith.minimumf %max3A_914, %roll3A_944 : vector<8x512xf32>
    %min3A_960 = arith.minimumf %max3A_917, %roll3A_942 : vector<8x512xf32>
    %min3A_961 = arith.minimumf %max3A_922, %roll3A_940 : vector<8x512xf32>
    %max3A_962 = arith.maximumf %min3A_960, %min3A_961 : vector<8x512xf32>
    %max3A_963 = arith.maximumf %min3A_959, %max3A_962 : vector<8x512xf32>
    %max3A_964 = arith.maximumf %max3A_958, %max3A_963 : vector<8x512xf32>
    %max3A_965 = arith.maximumf %max3A_938, %roll3A_948 : vector<8x512xf32>
    %min3A_966 = arith.minimumf %max3A_914, %roll3A_946 : vector<8x512xf32>
    %min3A_967 = arith.minimumf %max3A_917, %roll3A_944 : vector<8x512xf32>
    %max3A_968 = arith.maximumf %min3A_966, %min3A_967 : vector<8x512xf32>
    %min3A_969 = arith.minimumf %max3A_922, %roll3A_942 : vector<8x512xf32>
    %min3A_970 = arith.minimumf %max3A_929, %roll3A_940 : vector<8x512xf32>
    %max3A_971 = arith.maximumf %min3A_969, %min3A_970 : vector<8x512xf32>
    %max3A_972 = arith.maximumf %max3A_968, %max3A_971 : vector<8x512xf32>
    %max3A_973 = arith.maximumf %max3A_965, %max3A_972 : vector<8x512xf32>
    %roll3A_974 = arith.constant 1 : i32
    %roll3A_975 = tpu.dynamic_rotate %max3A_949 by %roll3A_974 dim 0 : vector<8x512xf32>, i32 -> vector<8x512xf32>
    %roll3A_976 = arith.constant 1 : i32
    %roll3A_977 = tpu.dynamic_rotate %max3A_952 by %roll3A_976 dim 0 : vector<8x512xf32>, i32 -> vector<8x512xf32>
    %roll3A_978 = arith.constant 1 : i32
    %roll3A_979 = tpu.dynamic_rotate %max3A_957 by %roll3A_978 dim 0 : vector<8x512xf32>, i32 -> vector<8x512xf32>
    %roll3A_980 = arith.constant 1 : i32
    %roll3A_981 = tpu.dynamic_rotate %max3A_964 by %roll3A_980 dim 0 : vector<8x512xf32>, i32 -> vector<8x512xf32>
    %roll3A_982 = arith.constant 1 : i32
    %roll3A_983 = tpu.dynamic_rotate %max3A_973 by %roll3A_982 dim 0 : vector<8x512xf32>, i32 -> vector<8x512xf32>
    %max3A_984 = arith.maximumf %max3A_973, %roll3A_983 : vector<8x512xf32>
    %min3A_985 = arith.minimumf %max3A_949, %roll3A_981 : vector<8x512xf32>
    %min3A_986 = arith.minimumf %max3A_952, %roll3A_979 : vector<8x512xf32>
    %max3A_987 = arith.maximumf %min3A_985, %min3A_986 : vector<8x512xf32>
    %min3A_988 = arith.minimumf %max3A_957, %roll3A_977 : vector<8x512xf32>
    %min3A_989 = arith.minimumf %max3A_964, %roll3A_975 : vector<8x512xf32>
    %max3A_990 = arith.maximumf %min3A_988, %min3A_989 : vector<8x512xf32>
    %max3A_991 = arith.maximumf %max3A_987, %max3A_990 : vector<8x512xf32>
    %max3A_992 = arith.maximumf %max3A_984, %max3A_991 : vector<8x512xf32>
    %slice3A_993 = vector.extract_strided_slice %max3A_992 {offsets = [0, 0], sizes = [1, 512], strides = [1, 1]} : vector<8x512xf32> to vector<1x512xf32>
    %squeeze3A_994 = vector.shape_cast %slice3A_993 : vector<1x512xf32> to vector<512xf32>
    %add3A_995 = arith.addf %add3A_751, %squeeze3A_994 : vector<512xf32>
    %get3A_996 = arith.constant 4 : index
    %get3A_997 = arith.constant 0 : index
    %get3A_998 = arith.constant 0 : index
    %get3A_999 = vector.load %arg4[%get3A_996, %get3A_997, %get3A_998] : memref<5x100x512xf32, #tpu.memory_space<vmem>>, vector<1x100x512xf32>
    %get3A_1000 = vector.shape_cast %get3A_999 : vector<1x100x512xf32> to vector<100x512xf32>
    %add3A_1001 = arith.addf %select_n3A, %get3A_1000 : vector<100x512xf32>
    %broadcast_in_dim3A_1002 = arith.constant -3.000000e+38 : f32
    %broadcast_in_dim3A_1003 = vector.broadcast %broadcast_in_dim3A_1002 : f32 to vector<8x512xf32>
    %broadcast_in_dim3A_1004 = arith.constant -3.000000e+38 : f32
    %broadcast_in_dim3A_1005 = vector.broadcast %broadcast_in_dim3A_1004 : f32 to vector<8x512xf32>
    %broadcast_in_dim3A_1006 = arith.constant -3.000000e+38 : f32
    %broadcast_in_dim3A_1007 = vector.broadcast %broadcast_in_dim3A_1006 : f32 to vector<8x512xf32>
    %broadcast_in_dim3A_1008 = arith.constant -3.000000e+38 : f32
    %broadcast_in_dim3A_1009 = vector.broadcast %broadcast_in_dim3A_1008 : f32 to vector<8x512xf32>
    %broadcast_in_dim3A_1010 = arith.constant -3.000000e+38 : f32
    %broadcast_in_dim3A_1011 = vector.broadcast %broadcast_in_dim3A_1010 : f32 to vector<8x512xf32>
    %slice3A_1012 = vector.extract_strided_slice %add3A_1001 {offsets = [0, 0], sizes = [8, 512], strides = [1, 1]} : vector<100x512xf32> to vector<8x512xf32>
    %max3A_1013 = arith.maximumf %broadcast_in_dim3A_1003, %slice3A_1012 : vector<8x512xf32>
    %min3A_1014 = arith.minimumf %broadcast_in_dim3A_1003, %slice3A_1012 : vector<8x512xf32>
    %max3A_1015 = arith.maximumf %broadcast_in_dim3A_1005, %min3A_1014 : vector<8x512xf32>
    %min3A_1016 = arith.minimumf %broadcast_in_dim3A_1005, %min3A_1014 : vector<8x512xf32>
    %max3A_1017 = arith.maximumf %broadcast_in_dim3A_1007, %min3A_1016 : vector<8x512xf32>
    %min3A_1018 = arith.minimumf %broadcast_in_dim3A_1007, %min3A_1016 : vector<8x512xf32>
    %max3A_1019 = arith.maximumf %broadcast_in_dim3A_1009, %min3A_1018 : vector<8x512xf32>
    %min3A_1020 = arith.minimumf %broadcast_in_dim3A_1009, %min3A_1018 : vector<8x512xf32>
    %max3A_1021 = arith.maximumf %broadcast_in_dim3A_1011, %min3A_1020 : vector<8x512xf32>
    %slice3A_1022 = vector.extract_strided_slice %add3A_1001 {offsets = [8, 0], sizes = [8, 512], strides = [1, 1]} : vector<100x512xf32> to vector<8x512xf32>
    %max3A_1023 = arith.maximumf %max3A_1013, %slice3A_1022 : vector<8x512xf32>
    %min3A_1024 = arith.minimumf %max3A_1013, %slice3A_1022 : vector<8x512xf32>
    %max3A_1025 = arith.maximumf %max3A_1015, %min3A_1024 : vector<8x512xf32>
    %min3A_1026 = arith.minimumf %max3A_1015, %min3A_1024 : vector<8x512xf32>
    %max3A_1027 = arith.maximumf %max3A_1017, %min3A_1026 : vector<8x512xf32>
    %min3A_1028 = arith.minimumf %max3A_1017, %min3A_1026 : vector<8x512xf32>
    %max3A_1029 = arith.maximumf %max3A_1019, %min3A_1028 : vector<8x512xf32>
    %min3A_1030 = arith.minimumf %max3A_1019, %min3A_1028 : vector<8x512xf32>
    %max3A_1031 = arith.maximumf %max3A_1021, %min3A_1030 : vector<8x512xf32>
    %slice3A_1032 = vector.extract_strided_slice %add3A_1001 {offsets = [16, 0], sizes = [8, 512], strides = [1, 1]} : vector<100x512xf32> to vector<8x512xf32>
    %max3A_1033 = arith.maximumf %max3A_1023, %slice3A_1032 : vector<8x512xf32>
    %min3A_1034 = arith.minimumf %max3A_1023, %slice3A_1032 : vector<8x512xf32>
    %max3A_1035 = arith.maximumf %max3A_1025, %min3A_1034 : vector<8x512xf32>
    %min3A_1036 = arith.minimumf %max3A_1025, %min3A_1034 : vector<8x512xf32>
    %max3A_1037 = arith.maximumf %max3A_1027, %min3A_1036 : vector<8x512xf32>
    %min3A_1038 = arith.minimumf %max3A_1027, %min3A_1036 : vector<8x512xf32>
    %max3A_1039 = arith.maximumf %max3A_1029, %min3A_1038 : vector<8x512xf32>
    %min3A_1040 = arith.minimumf %max3A_1029, %min3A_1038 : vector<8x512xf32>
    %max3A_1041 = arith.maximumf %max3A_1031, %min3A_1040 : vector<8x512xf32>
    %slice3A_1042 = vector.extract_strided_slice %add3A_1001 {offsets = [24, 0], sizes = [8, 512], strides = [1, 1]} : vector<100x512xf32> to vector<8x512xf32>
    %max3A_1043 = arith.maximumf %max3A_1033, %slice3A_1042 : vector<8x512xf32>
    %min3A_1044 = arith.minimumf %max3A_1033, %slice3A_1042 : vector<8x512xf32>
    %max3A_1045 = arith.maximumf %max3A_1035, %min3A_1044 : vector<8x512xf32>
    %min3A_1046 = arith.minimumf %max3A_1035, %min3A_1044 : vector<8x512xf32>
    %max3A_1047 = arith.maximumf %max3A_1037, %min3A_1046 : vector<8x512xf32>
    %min3A_1048 = arith.minimumf %max3A_1037, %min3A_1046 : vector<8x512xf32>
    %max3A_1049 = arith.maximumf %max3A_1039, %min3A_1048 : vector<8x512xf32>
    %min3A_1050 = arith.minimumf %max3A_1039, %min3A_1048 : vector<8x512xf32>
    %max3A_1051 = arith.maximumf %max3A_1041, %min3A_1050 : vector<8x512xf32>
    %slice3A_1052 = vector.extract_strided_slice %add3A_1001 {offsets = [32, 0], sizes = [8, 512], strides = [1, 1]} : vector<100x512xf32> to vector<8x512xf32>
    %max3A_1053 = arith.maximumf %max3A_1043, %slice3A_1052 : vector<8x512xf32>
    %min3A_1054 = arith.minimumf %max3A_1043, %slice3A_1052 : vector<8x512xf32>
    %max3A_1055 = arith.maximumf %max3A_1045, %min3A_1054 : vector<8x512xf32>
    %min3A_1056 = arith.minimumf %max3A_1045, %min3A_1054 : vector<8x512xf32>
    %max3A_1057 = arith.maximumf %max3A_1047, %min3A_1056 : vector<8x512xf32>
    %min3A_1058 = arith.minimumf %max3A_1047, %min3A_1056 : vector<8x512xf32>
    %max3A_1059 = arith.maximumf %max3A_1049, %min3A_1058 : vector<8x512xf32>
    %min3A_1060 = arith.minimumf %max3A_1049, %min3A_1058 : vector<8x512xf32>
    %max3A_1061 = arith.maximumf %max3A_1051, %min3A_1060 : vector<8x512xf32>
    %slice3A_1062 = vector.extract_strided_slice %add3A_1001 {offsets = [40, 0], sizes = [8, 512], strides = [1, 1]} : vector<100x512xf32> to vector<8x512xf32>
    %max3A_1063 = arith.maximumf %max3A_1053, %slice3A_1062 : vector<8x512xf32>
    %min3A_1064 = arith.minimumf %max3A_1053, %slice3A_1062 : vector<8x512xf32>
    %max3A_1065 = arith.maximumf %max3A_1055, %min3A_1064 : vector<8x512xf32>
    %min3A_1066 = arith.minimumf %max3A_1055, %min3A_1064 : vector<8x512xf32>
    %max3A_1067 = arith.maximumf %max3A_1057, %min3A_1066 : vector<8x512xf32>
    %min3A_1068 = arith.minimumf %max3A_1057, %min3A_1066 : vector<8x512xf32>
    %max3A_1069 = arith.maximumf %max3A_1059, %min3A_1068 : vector<8x512xf32>
    %min3A_1070 = arith.minimumf %max3A_1059, %min3A_1068 : vector<8x512xf32>
    %max3A_1071 = arith.maximumf %max3A_1061, %min3A_1070 : vector<8x512xf32>
    %slice3A_1072 = vector.extract_strided_slice %add3A_1001 {offsets = [48, 0], sizes = [8, 512], strides = [1, 1]} : vector<100x512xf32> to vector<8x512xf32>
    %max3A_1073 = arith.maximumf %max3A_1063, %slice3A_1072 : vector<8x512xf32>
    %min3A_1074 = arith.minimumf %max3A_1063, %slice3A_1072 : vector<8x512xf32>
    %max3A_1075 = arith.maximumf %max3A_1065, %min3A_1074 : vector<8x512xf32>
    %min3A_1076 = arith.minimumf %max3A_1065, %min3A_1074 : vector<8x512xf32>
    %max3A_1077 = arith.maximumf %max3A_1067, %min3A_1076 : vector<8x512xf32>
    %min3A_1078 = arith.minimumf %max3A_1067, %min3A_1076 : vector<8x512xf32>
    %max3A_1079 = arith.maximumf %max3A_1069, %min3A_1078 : vector<8x512xf32>
    %min3A_1080 = arith.minimumf %max3A_1069, %min3A_1078 : vector<8x512xf32>
    %max3A_1081 = arith.maximumf %max3A_1071, %min3A_1080 : vector<8x512xf32>
    %slice3A_1082 = vector.extract_strided_slice %add3A_1001 {offsets = [56, 0], sizes = [8, 512], strides = [1, 1]} : vector<100x512xf32> to vector<8x512xf32>
    %max3A_1083 = arith.maximumf %max3A_1073, %slice3A_1082 : vector<8x512xf32>
    %min3A_1084 = arith.minimumf %max3A_1073, %slice3A_1082 : vector<8x512xf32>
    %max3A_1085 = arith.maximumf %max3A_1075, %min3A_1084 : vector<8x512xf32>
    %min3A_1086 = arith.minimumf %max3A_1075, %min3A_1084 : vector<8x512xf32>
    %max3A_1087 = arith.maximumf %max3A_1077, %min3A_1086 : vector<8x512xf32>
    %min3A_1088 = arith.minimumf %max3A_1077, %min3A_1086 : vector<8x512xf32>
    %max3A_1089 = arith.maximumf %max3A_1079, %min3A_1088 : vector<8x512xf32>
    %min3A_1090 = arith.minimumf %max3A_1079, %min3A_1088 : vector<8x512xf32>
    %max3A_1091 = arith.maximumf %max3A_1081, %min3A_1090 : vector<8x512xf32>
    %slice3A_1092 = vector.extract_strided_slice %add3A_1001 {offsets = [64, 0], sizes = [8, 512], strides = [1, 1]} : vector<100x512xf32> to vector<8x512xf32>
    %max3A_1093 = arith.maximumf %max3A_1083, %slice3A_1092 : vector<8x512xf32>
    %min3A_1094 = arith.minimumf %max3A_1083, %slice3A_1092 : vector<8x512xf32>
    %max3A_1095 = arith.maximumf %max3A_1085, %min3A_1094 : vector<8x512xf32>
    %min3A_1096 = arith.minimumf %max3A_1085, %min3A_1094 : vector<8x512xf32>
    %max3A_1097 = arith.maximumf %max3A_1087, %min3A_1096 : vector<8x512xf32>
    %min3A_1098 = arith.minimumf %max3A_1087, %min3A_1096 : vector<8x512xf32>
    %max3A_1099 = arith.maximumf %max3A_1089, %min3A_1098 : vector<8x512xf32>
    %min3A_1100 = arith.minimumf %max3A_1089, %min3A_1098 : vector<8x512xf32>
    %max3A_1101 = arith.maximumf %max3A_1091, %min3A_1100 : vector<8x512xf32>
    %slice3A_1102 = vector.extract_strided_slice %add3A_1001 {offsets = [72, 0], sizes = [8, 512], strides = [1, 1]} : vector<100x512xf32> to vector<8x512xf32>
    %max3A_1103 = arith.maximumf %max3A_1093, %slice3A_1102 : vector<8x512xf32>
    %min3A_1104 = arith.minimumf %max3A_1093, %slice3A_1102 : vector<8x512xf32>
    %max3A_1105 = arith.maximumf %max3A_1095, %min3A_1104 : vector<8x512xf32>
    %min3A_1106 = arith.minimumf %max3A_1095, %min3A_1104 : vector<8x512xf32>
    %max3A_1107 = arith.maximumf %max3A_1097, %min3A_1106 : vector<8x512xf32>
    %min3A_1108 = arith.minimumf %max3A_1097, %min3A_1106 : vector<8x512xf32>
    %max3A_1109 = arith.maximumf %max3A_1099, %min3A_1108 : vector<8x512xf32>
    %min3A_1110 = arith.minimumf %max3A_1099, %min3A_1108 : vector<8x512xf32>
    %max3A_1111 = arith.maximumf %max3A_1101, %min3A_1110 : vector<8x512xf32>
    %slice3A_1112 = vector.extract_strided_slice %add3A_1001 {offsets = [80, 0], sizes = [8, 512], strides = [1, 1]} : vector<100x512xf32> to vector<8x512xf32>
    %max3A_1113 = arith.maximumf %max3A_1103, %slice3A_1112 : vector<8x512xf32>
    %min3A_1114 = arith.minimumf %max3A_1103, %slice3A_1112 : vector<8x512xf32>
    %max3A_1115 = arith.maximumf %max3A_1105, %min3A_1114 : vector<8x512xf32>
    %min3A_1116 = arith.minimumf %max3A_1105, %min3A_1114 : vector<8x512xf32>
    %max3A_1117 = arith.maximumf %max3A_1107, %min3A_1116 : vector<8x512xf32>
    %min3A_1118 = arith.minimumf %max3A_1107, %min3A_1116 : vector<8x512xf32>
    %max3A_1119 = arith.maximumf %max3A_1109, %min3A_1118 : vector<8x512xf32>
    %min3A_1120 = arith.minimumf %max3A_1109, %min3A_1118 : vector<8x512xf32>
    %max3A_1121 = arith.maximumf %max3A_1111, %min3A_1120 : vector<8x512xf32>
    %slice3A_1122 = vector.extract_strided_slice %add3A_1001 {offsets = [88, 0], sizes = [8, 512], strides = [1, 1]} : vector<100x512xf32> to vector<8x512xf32>
    %max3A_1123 = arith.maximumf %max3A_1113, %slice3A_1122 : vector<8x512xf32>
    %min3A_1124 = arith.minimumf %max3A_1113, %slice3A_1122 : vector<8x512xf32>
    %max3A_1125 = arith.maximumf %max3A_1115, %min3A_1124 : vector<8x512xf32>
    %min3A_1126 = arith.minimumf %max3A_1115, %min3A_1124 : vector<8x512xf32>
    %max3A_1127 = arith.maximumf %max3A_1117, %min3A_1126 : vector<8x512xf32>
    %min3A_1128 = arith.minimumf %max3A_1117, %min3A_1126 : vector<8x512xf32>
    %max3A_1129 = arith.maximumf %max3A_1119, %min3A_1128 : vector<8x512xf32>
    %min3A_1130 = arith.minimumf %max3A_1119, %min3A_1128 : vector<8x512xf32>
    %max3A_1131 = arith.maximumf %max3A_1121, %min3A_1130 : vector<8x512xf32>
    %slice3A_1132 = vector.extract_strided_slice %add3A_1001 {offsets = [92, 0], sizes = [8, 512], strides = [1, 1]} : vector<100x512xf32> to vector<8x512xf32>
    %lt3A_1133 = arith.constant 4 : i32
    %lt3A_1134 = vector.broadcast %lt3A_1133 : i32 to vector<8x512xi32>
    %lt3A_1135 = arith.cmpi slt, %iota3A_24, %lt3A_1134 : vector<8x512xi32>
    %jit3A_1136 = arith.constant -3.000000e+38 : f32
    %broadcast_in_dim3A_1137 = vector.broadcast %jit3A_1136 : f32 to vector<8x512xf32>
    %select_n3A_1138 = arith.select %lt3A_1135, %broadcast_in_dim3A_1137, %slice3A_1132 : vector<8x512xi1>, vector<8x512xf32>
    %max3A_1139 = arith.maximumf %max3A_1123, %select_n3A_1138 : vector<8x512xf32>
    %min3A_1140 = arith.minimumf %max3A_1123, %select_n3A_1138 : vector<8x512xf32>
    %max3A_1141 = arith.maximumf %max3A_1125, %min3A_1140 : vector<8x512xf32>
    %min3A_1142 = arith.minimumf %max3A_1125, %min3A_1140 : vector<8x512xf32>
    %max3A_1143 = arith.maximumf %max3A_1127, %min3A_1142 : vector<8x512xf32>
    %min3A_1144 = arith.minimumf %max3A_1127, %min3A_1142 : vector<8x512xf32>
    %max3A_1145 = arith.maximumf %max3A_1129, %min3A_1144 : vector<8x512xf32>
    %min3A_1146 = arith.minimumf %max3A_1129, %min3A_1144 : vector<8x512xf32>
    %max3A_1147 = arith.maximumf %max3A_1131, %min3A_1146 : vector<8x512xf32>
    %roll3A_1148 = arith.constant 4 : i32
    %roll3A_1149 = tpu.dynamic_rotate %max3A_1139 by %roll3A_1148 dim 0 : vector<8x512xf32>, i32 -> vector<8x512xf32>
    %roll3A_1150 = arith.constant 4 : i32
    %roll3A_1151 = tpu.dynamic_rotate %max3A_1141 by %roll3A_1150 dim 0 : vector<8x512xf32>, i32 -> vector<8x512xf32>
    %roll3A_1152 = arith.constant 4 : i32
    %roll3A_1153 = tpu.dynamic_rotate %max3A_1143 by %roll3A_1152 dim 0 : vector<8x512xf32>, i32 -> vector<8x512xf32>
    %roll3A_1154 = arith.constant 4 : i32
    %roll3A_1155 = tpu.dynamic_rotate %max3A_1145 by %roll3A_1154 dim 0 : vector<8x512xf32>, i32 -> vector<8x512xf32>
    %roll3A_1156 = arith.constant 4 : i32
    %roll3A_1157 = tpu.dynamic_rotate %max3A_1147 by %roll3A_1156 dim 0 : vector<8x512xf32>, i32 -> vector<8x512xf32>
    %max3A_1158 = arith.maximumf %max3A_1139, %roll3A_1149 : vector<8x512xf32>
    %max3A_1159 = arith.maximumf %max3A_1141, %roll3A_1151 : vector<8x512xf32>
    %min3A_1160 = arith.minimumf %max3A_1139, %roll3A_1149 : vector<8x512xf32>
    %max3A_1161 = arith.maximumf %max3A_1159, %min3A_1160 : vector<8x512xf32>
    %max3A_1162 = arith.maximumf %max3A_1143, %roll3A_1153 : vector<8x512xf32>
    %min3A_1163 = arith.minimumf %max3A_1139, %roll3A_1151 : vector<8x512xf32>
    %min3A_1164 = arith.minimumf %max3A_1141, %roll3A_1149 : vector<8x512xf32>
    %max3A_1165 = arith.maximumf %min3A_1163, %min3A_1164 : vector<8x512xf32>
    %max3A_1166 = arith.maximumf %max3A_1162, %max3A_1165 : vector<8x512xf32>
    %max3A_1167 = arith.maximumf %max3A_1145, %roll3A_1155 : vector<8x512xf32>
    %min3A_1168 = arith.minimumf %max3A_1139, %roll3A_1153 : vector<8x512xf32>
    %min3A_1169 = arith.minimumf %max3A_1141, %roll3A_1151 : vector<8x512xf32>
    %min3A_1170 = arith.minimumf %max3A_1143, %roll3A_1149 : vector<8x512xf32>
    %max3A_1171 = arith.maximumf %min3A_1169, %min3A_1170 : vector<8x512xf32>
    %max3A_1172 = arith.maximumf %min3A_1168, %max3A_1171 : vector<8x512xf32>
    %max3A_1173 = arith.maximumf %max3A_1167, %max3A_1172 : vector<8x512xf32>
    %max3A_1174 = arith.maximumf %max3A_1147, %roll3A_1157 : vector<8x512xf32>
    %min3A_1175 = arith.minimumf %max3A_1139, %roll3A_1155 : vector<8x512xf32>
    %min3A_1176 = arith.minimumf %max3A_1141, %roll3A_1153 : vector<8x512xf32>
    %max3A_1177 = arith.maximumf %min3A_1175, %min3A_1176 : vector<8x512xf32>
    %min3A_1178 = arith.minimumf %max3A_1143, %roll3A_1151 : vector<8x512xf32>
    %min3A_1179 = arith.minimumf %max3A_1145, %roll3A_1149 : vector<8x512xf32>
    %max3A_1180 = arith.maximumf %min3A_1178, %min3A_1179 : vector<8x512xf32>
    %max3A_1181 = arith.maximumf %max3A_1177, %max3A_1180 : vector<8x512xf32>
    %max3A_1182 = arith.maximumf %max3A_1174, %max3A_1181 : vector<8x512xf32>
    %roll3A_1183 = arith.constant 2 : i32
    %roll3A_1184 = tpu.dynamic_rotate %max3A_1158 by %roll3A_1183 dim 0 : vector<8x512xf32>, i32 -> vector<8x512xf32>
    %roll3A_1185 = arith.constant 2 : i32
    %roll3A_1186 = tpu.dynamic_rotate %max3A_1161 by %roll3A_1185 dim 0 : vector<8x512xf32>, i32 -> vector<8x512xf32>
    %roll3A_1187 = arith.constant 2 : i32
    %roll3A_1188 = tpu.dynamic_rotate %max3A_1166 by %roll3A_1187 dim 0 : vector<8x512xf32>, i32 -> vector<8x512xf32>
    %roll3A_1189 = arith.constant 2 : i32
    %roll3A_1190 = tpu.dynamic_rotate %max3A_1173 by %roll3A_1189 dim 0 : vector<8x512xf32>, i32 -> vector<8x512xf32>
    %roll3A_1191 = arith.constant 2 : i32
    %roll3A_1192 = tpu.dynamic_rotate %max3A_1182 by %roll3A_1191 dim 0 : vector<8x512xf32>, i32 -> vector<8x512xf32>
    %max3A_1193 = arith.maximumf %max3A_1158, %roll3A_1184 : vector<8x512xf32>
    %max3A_1194 = arith.maximumf %max3A_1161, %roll3A_1186 : vector<8x512xf32>
    %min3A_1195 = arith.minimumf %max3A_1158, %roll3A_1184 : vector<8x512xf32>
    %max3A_1196 = arith.maximumf %max3A_1194, %min3A_1195 : vector<8x512xf32>
    %max3A_1197 = arith.maximumf %max3A_1166, %roll3A_1188 : vector<8x512xf32>
    %min3A_1198 = arith.minimumf %max3A_1158, %roll3A_1186 : vector<8x512xf32>
    %min3A_1199 = arith.minimumf %max3A_1161, %roll3A_1184 : vector<8x512xf32>
    %max3A_1200 = arith.maximumf %min3A_1198, %min3A_1199 : vector<8x512xf32>
    %max3A_1201 = arith.maximumf %max3A_1197, %max3A_1200 : vector<8x512xf32>
    %max3A_1202 = arith.maximumf %max3A_1173, %roll3A_1190 : vector<8x512xf32>
    %min3A_1203 = arith.minimumf %max3A_1158, %roll3A_1188 : vector<8x512xf32>
    %min3A_1204 = arith.minimumf %max3A_1161, %roll3A_1186 : vector<8x512xf32>
    %min3A_1205 = arith.minimumf %max3A_1166, %roll3A_1184 : vector<8x512xf32>
    %max3A_1206 = arith.maximumf %min3A_1204, %min3A_1205 : vector<8x512xf32>
    %max3A_1207 = arith.maximumf %min3A_1203, %max3A_1206 : vector<8x512xf32>
    %max3A_1208 = arith.maximumf %max3A_1202, %max3A_1207 : vector<8x512xf32>
    %max3A_1209 = arith.maximumf %max3A_1182, %roll3A_1192 : vector<8x512xf32>
    %min3A_1210 = arith.minimumf %max3A_1158, %roll3A_1190 : vector<8x512xf32>
    %min3A_1211 = arith.minimumf %max3A_1161, %roll3A_1188 : vector<8x512xf32>
    %max3A_1212 = arith.maximumf %min3A_1210, %min3A_1211 : vector<8x512xf32>
    %min3A_1213 = arith.minimumf %max3A_1166, %roll3A_1186 : vector<8x512xf32>
    %min3A_1214 = arith.minimumf %max3A_1173, %roll3A_1184 : vector<8x512xf32>
    %max3A_1215 = arith.maximumf %min3A_1213, %min3A_1214 : vector<8x512xf32>
    %max3A_1216 = arith.maximumf %max3A_1212, %max3A_1215 : vector<8x512xf32>
    %max3A_1217 = arith.maximumf %max3A_1209, %max3A_1216 : vector<8x512xf32>
    %roll3A_1218 = arith.constant 1 : i32
    %roll3A_1219 = tpu.dynamic_rotate %max3A_1193 by %roll3A_1218 dim 0 : vector<8x512xf32>, i32 -> vector<8x512xf32>
    %roll3A_1220 = arith.constant 1 : i32
    %roll3A_1221 = tpu.dynamic_rotate %max3A_1196 by %roll3A_1220 dim 0 : vector<8x512xf32>, i32 -> vector<8x512xf32>
    %roll3A_1222 = arith.constant 1 : i32
    %roll3A_1223 = tpu.dynamic_rotate %max3A_1201 by %roll3A_1222 dim 0 : vector<8x512xf32>, i32 -> vector<8x512xf32>
    %roll3A_1224 = arith.constant 1 : i32
    %roll3A_1225 = tpu.dynamic_rotate %max3A_1208 by %roll3A_1224 dim 0 : vector<8x512xf32>, i32 -> vector<8x512xf32>
    %roll3A_1226 = arith.constant 1 : i32
    %roll3A_1227 = tpu.dynamic_rotate %max3A_1217 by %roll3A_1226 dim 0 : vector<8x512xf32>, i32 -> vector<8x512xf32>
    %max3A_1228 = arith.maximumf %max3A_1217, %roll3A_1227 : vector<8x512xf32>
    %min3A_1229 = arith.minimumf %max3A_1193, %roll3A_1225 : vector<8x512xf32>
    %min3A_1230 = arith.minimumf %max3A_1196, %roll3A_1223 : vector<8x512xf32>
    %max3A_1231 = arith.maximumf %min3A_1229, %min3A_1230 : vector<8x512xf32>
    %min3A_1232 = arith.minimumf %max3A_1201, %roll3A_1221 : vector<8x512xf32>
    %min3A_1233 = arith.minimumf %max3A_1208, %roll3A_1219 : vector<8x512xf32>
    %max3A_1234 = arith.maximumf %min3A_1232, %min3A_1233 : vector<8x512xf32>
    %max3A_1235 = arith.maximumf %max3A_1231, %max3A_1234 : vector<8x512xf32>
    %max3A_1236 = arith.maximumf %max3A_1228, %max3A_1235 : vector<8x512xf32>
    %slice3A_1237 = vector.extract_strided_slice %max3A_1236 {offsets = [0, 0], sizes = [1, 512], strides = [1, 1]} : vector<8x512xf32> to vector<1x512xf32>
    %squeeze3A_1238 = vector.shape_cast %slice3A_1237 : vector<1x512xf32> to vector<512xf32>
    %add3A_1239 = arith.addf %add3A_995, %squeeze3A_1238 : vector<512xf32>
    %mul3A_1240 = arith.constant 2.000000e-02 : f32
    %mul3A_1241 = vector.broadcast %mul3A_1240 : f32 to vector<512xf32>
    %mul3A_1242 = arith.mulf %add3A_1239, %mul3A_1241 : vector<512xf32>
    %sub3A = arith.subf %reduce_sum3A_13, %reduce_sum3A_23 : vector<512xf32>
    %mul3A_1243 = arith.constant 5.000000e+01 : f32
    %mul3A_1244 = vector.broadcast %mul3A_1243 : f32 to vector<512xf32>
    %mul3A_1245 = arith.mulf %sub3A, %mul3A_1244 : vector<512xf32>
    %add3A_1246 = arith.constant 1.000000e+00 : f32
    %add3A_1247 = vector.broadcast %add3A_1246 : f32 to vector<512xf32>
    %add3A_1248 = arith.addf %add3A_1247, %mul3A_1242 : vector<512xf32>
    %sub3A_1249 = arith.subf %add3A_1248, %mul3A_1245 : vector<512xf32>
    %max3A_1250 = arith.constant 0.000000e+00 : f32
    %max3A_1251 = vector.broadcast %max3A_1250 : f32 to vector<512xf32>
    %max3A_1252 = arith.maximumf %sub3A_1249, %max3A_1251 : vector<512xf32>
    %broadcast_in_dim3A_1253 = vector.shape_cast %max3A_1252 : vector<512xf32> to vector<1x512xf32>
    %swap3A = arith.constant 0 : index
    %swap3A_1254 = arith.constant 0 : index
    %swap3A_1255 = vector.load %arg5[%swap3A, %swap3A_1254] : memref<1x512xf32, #tpu.memory_space<vmem>>, vector<1x512xf32>
    tpu.vector_store %arg5[%swap3A, %swap3A_1254], %broadcast_in_dim3A_1253 {strides = array<i32>} : memref<1x512xf32, #tpu.memory_space<vmem>>, vector<1x512xf32>,
    return
  }
  func.func @transform_0(%arg0: i32) -> (i32, i32) {
    %add3A = arith.constant 8 : i32
    %add3A_0 = arith.addi %add3A, %arg0 : i32
    %c0_i32 = arith.constant 0 : i32
    %c0_i32_1 = arith.constant 0 : i32
    return %c0_i32, %add3A_0 : i32, i32
  }
  func.func @transform_1(%arg0: i32) -> (i32, i32) {
    %add3A = arith.constant 8 : i32
    %add3A_0 = arith.addi %add3A, %arg0 : i32
    %c0_i32 = arith.constant 0 : i32
    %c0_i32_1 = arith.constant 0 : i32
    return %c0_i32, %add3A_0 : i32, i32
  }
  func.func @transform_2(%arg0: i32) -> (i32, i32) {
    %c0_i32 = arith.constant 0 : i32
    %c0_i32_0 = arith.constant 0 : i32
    %c0_i32_1 = arith.constant 0 : i32
    return %c0_i32, %c0_i32_0 : i32, i32
  }
  func.func @transform_3(%arg0: i32) -> (i32, i32, i32) {
    %add3A = arith.constant 8 : i32
    %add3A_0 = arith.addi %add3A, %arg0 : i32
    %c0_i32 = arith.constant 0 : i32
    %c0_i32_1 = arith.constant 0 : i32
    %c0_i32_2 = arith.constant 0 : i32
    return %c0_i32, %c0_i32_1, %add3A_0 : i32, i32, i32
  }
  func.func @transform_4(%arg0: i32) -> (i32, i32) {
    %c0_i32 = arith.constant 0 : i32
    %c0_i32_0 = arith.constant 0 : i32
    return %c0_i32, %arg0 : i32, i32
  }
}

</mosaic_0001>

<sc_bundles>
// kernel: kernel.4.cloned.1.call-start
scs
__scs_entry_jumppad:
0x0: {  	(pc) =	sbr.rel $0x88, $3  }
0x1: {  	(tag) =	ssettag $0x0;
	lr =	simm.s32 $0x1  }
0x2: {  	[smem:$0x3F9D] =	sst lr;
	_ =	strace $0xD0000000  }
0x3: {  	_ = 	snop  }
0x4: {  	_ = 	snop  }
0x5: {  	_ = 	snop  }
0x6: {  	_ = 	snop  }
0x7: {  	_ = 	snop  }
__scs_overlays_trampoline_lowered:
0x8: {  	[smem:$0x3FAC] =	sst s0  }
0x9: {  	[smem:$0x3FAD] =	sst s1  }
0xa: {  	[smem:$0x3FAE] =	sst s2  }
0xb: {  	[smem:$0x3FAF] =	sst s3  }
0xc: {  	[smem:$0x3FB0] =	sst s4  }
0xd: {  	[smem:$0x3FB1] =	sst s5  }
0xe: {  	[smem:$0x3FB2] =	sst s6  }
0xf: {  	[smem:$0x3FB3] =	sst s7  }
0x10: {  	[smem:$0x3FB4] =	sst s8  }
0x11: {  	[smem:$0x3FB5] =	sst s9;
	s0 =	simm.s32 @!p0 $0x0  }
0x12: {  	s1 =	sld [smem:$0x3F9B];
	s0 =	simm.s32 @p0 $0x1  }
0x13: {  	[smem:$0x3FB6] =	sst s0;
	s0 =	simm.s32 @!p1 $0x0  }
0x14: {  	s2 =	sld [smem:$0x3F9A];
	s0 =	simm.s32 @p1 $0x1  }
0x15: {  	[smem:$0x3FB7] =	sst s0;
	s0 =	simm.s32 @!p2 $0x0  }
0x16: {  	s3 =	sld [smem:$0x3FDB];
	s0 =	simm.s32 @p2 $0x1  }
0x17: {  	s4 =	simm.s32 $0x1BF5;
	[smem:$0x3FB9] =	sst s0  }
0x18: {  	s0 =	sld [smem:$0x3F9C];
	_ =	swait.ge [sflag:s4], $0x0  }
0x19: {  	s7 =	sld [smem:$0x3F9D]  }
0x1a: {  	s8 =	sadd.s32 $0xFFFFE003, lr  }
0x1b: {  	s9 =	sadd.s32 $0xFFFFFEF7, lr;
	s5 =	simm.s32 $0xFFFFFFFF;
	p2 =	slt.u32 s8, $0xFFFFF086  }
0x1c: {  	p1 =	slt.u32 s9, $0xF7A;
	s5 =	simm.s32 @!p2 $0x0  }
0x1d: {  	s5 =	simm.s32 @p1 $0x1;
	p0 =	seq.s32 s7, s2  }
0x1e: {  	s7 =	smul.u32 @!p0 $0xF7A, s2;
	p2 =	seq.s32 @!p0 s5, $0x0  }
0x1f: {  	s9 =	smul.u32 $0xF7A, s1;
	s8 =	simm.s32 @!p0 $0x1BF5;
	p2 =	por !p2, p0  }
0x20: {  	[sflag:s8] =	ssyncset.s32 @!p0 $0xFFFFF086;
	s6 =	sadd.s32 @!p0 s3, s7;
	s7 =	simm.s32 @!p0 $0x108  }
0x21: {  	s3 =	sadd.s32 s3, s9;
	s6 =	sadd.s32 @!p0 $0x88, s6;
	s7 =	simm.s32 @p2 $0x1082  }
0x22: {  	[simem:s7], [sflag:s8] =	dma.local @!p0 [hbm:s6], $0xF7A  }
0x23: {  	s9 =	sor.u32 $0xD0000000, s2;
	s6 =	simm.s32 $0x108;
	_ =	swait.ge @!p0 [sflag:s8], $0x0  }
0x24: {  	s3 =	sadd.s32 $0x88, s3;
	s6 =	simm.s32 @!p1 $0x1082;
	[sflag:s4] =	ssyncset.s32 $0xFFFFF086  }
0x25: {  	[simem:s6], [sflag:s4] =	dma.local [hbm:s3], $0xF7A  }
0x26: {  	[smem:$0x3F9D] =	sst s1;
	(tag) =	ssettag s2;
	_ =	strace s9  }
0x27: {  	s1 =	sld [smem:$0x3FAD]  }
0x28: {  	s2 =	sld [smem:$0x3FAE]  }
0x29: {  	s4 =	sld [smem:$0x3FB0]  }
0x2a: {  	p0 =	seq.s32 s5, $0x0;
	s5 =	sld [smem:$0x3FB1]  }
0x2b: {  	s6 =	sld [smem:$0x3FB2]  }
0x2c: {  	s7 =	sld [smem:$0x3FB3]  }
0x2d: {  	s3 =	simm.s32 $0x108;
	s8 =	sld [smem:$0x3FB4]  }
0x2e: {  	s3 =	simm.s32 @!p0 $0x1082;
	s9 =	sld [smem:$0x3FB5]  }
0x2f: {  	lr =	sadd.s32 s0, s3;
	s0 =	sld [smem:$0x3FAC]  }
0x30: {  	s3 =	sld [smem:$0x3FAF]  }
0x31: {  	[smem:$0x3FB8] =	sst s10  }
0x32: {  	s10 =	sld [smem:$0x3FB6];
	_ =	sdelay $0x3  }
0x33: {  	p0 =	seq.s32 s10, $0x1;
	s10 =	sld [smem:$0x3FB8];
	_ =	sdelay $0x3  }
0x34: {  	[smem:$0x3FB8] =	sst s10  }
0x35: {  	s10 =	sld [smem:$0x3FB7];
	_ =	sdelay $0x3  }
0x36: {  	p1 =	seq.s32 s10, $0x1;
	s10 =	sld [smem:$0x3FB8];
	_ =	sdelay $0x3  }
0x37: {  	[smem:$0x3FB8] =	sst s10  }
0x38: {  	s10 =	sld [smem:$0x3FB9]  }
0x39: {  	_ = 	snop;
	(pc) =	sbr.ind lr, $3  }
0x3a: {  	_ = 	snop  }
0x3b: {  	_ = 	snop  }
0x3c: {  	p2 =	seq.s32 s10, $0x1;
	s10 =	sld [smem:$0x3FB8]  }
0x3d: {  	_ =	shalt  }
0x3e: {  	_ =	shalt  }
0x3f: {  	_ =	shalt  }
0x40: {  	_ =	shalt  }
0x41: {  	_ =	shalt  }
0x42: {  	_ =	shalt  }
0x43: {  	_ =	shalt  }
0x44: {  	_ =	shalt  }
0x45: {  	_ =	shalt  }
0x46: {  	_ =	shalt  }
0x47: {  	_ =	shalt  }
0x48: {  	_ =	shalt  }
0x49: {  	_ =	shalt  }
0x4a: {  	_ =	shalt  }
0x4b: {  	_ =	shalt  }
0x4c: {  	_ =	shalt  }
0x4d: {  	_ =	shalt  }
0x4e: {  	_ =	shalt  }
0x4f: {  	_ =	shalt  }
0x50: {  	_ =	shalt  }
0x51: {  	_ =	shalt  }
0x52: {  	_ =	shalt  }
0x53: {  	_ =	shalt  }
0x54: {  	_ =	shalt  }
0x55: {  	_ =	shalt  }
0x56: {  	_ =	shalt  }
0x57: {  	_ =	shalt  }
0x58: {  	_ =	shalt  }
0x59: {  	_ =	shalt  }
0x5a: {  	_ =	shalt  }
0x5b: {  	_ =	shalt  }
0x5c: {  	_ =	shalt  }
0x5d: {  	_ =	shalt  }
0x5e: {  	_ =	shalt  }
0x5f: {  	_ =	shalt  }
0x60: {  	_ =	shalt  }
0x61: {  	_ =	shalt  }
0x62: {  	_ =	shalt  }
0x63: {  	_ =	shalt  }
0x64: {  	_ =	shalt  }
0x65: {  	_ =	shalt  }
0x66: {  	_ =	shalt  }
0x67: {  	_ =	shalt  }
0x68: {  	_ =	shalt  }
0x69: {  	_ =	shalt  }
0x6a: {  	_ =	shalt  }
0x6b: {  	_ =	shalt  }
0x6c: {  	_ =	shalt  }
0x6d: {  	_ =	shalt  }
0x6e: {  	_ =	shalt  }
0x6f: {  	_ =	shalt  }
0x70: {  	_ =	shalt  }
0x71: {  	_ =	shalt  }
0x72: {  	_ =	shalt  }
0x73: {  	_ =	shalt  }
0x74: {  	_ =	shalt  }
0x75: {  	_ =	shalt  }
0x76: {  	_ =	shalt  }
0x77: {  	_ =	shalt  }
0x78: {  	_ =	shalt  }
0x79: {  	_ =	shalt  }
0x7a: {  	_ =	shalt  }
0x7b: {  	_ =	shalt  }
0x7c: {  	_ =	shalt  }
0x7d: {  	_ =	shalt  }
0x7e: {  	_ =	shalt  }
0x7f: {  	_ =	shalt  }
0x80: {  	_ =	shalt  }
0x81: {  	_ =	shalt  }
0x82: {  	_ =	shalt  }
0x83: {  	_ =	shalt  }
0x84: {  	_ =	shalt  }
0x85: {  	_ =	shalt  }
0x86: {  	_ =	shalt  }
0x87: {  	_ =	shalt  }
.Lfunc_end0:
.L_simem_size_0:
called_computation_lowered:
.L_overlay_start_0:
0x88: {  	s2 =	sld [smem:$0x3FD9]  }
0x89: {  	s3 =	sld [smem:$0x3FFE];
	_ =	sdelay $0x1  }
0x8a: {  	s1 =	srdreg.scid  }
0x8b: {  	s0 =	sand.u32 $0x1, s1  }
0x8c: {  	s17 =	sshll.u32 s0, $0xA;
	s2 =	sadd.s32 s3, s2  }
0x8d: {  	s2 =	sadd.s32 s2, s17  }
0x8e: {  	[smem:$0x3FC4] =	sst s2  }
0x8f: {  	_ = 	snop  }
0x90: {  	s2 =	sld [smem:$0x3FC9]  }
0x91: {  	s18 =	sld [smem:$0x3FC8]  }
0x92: {  	s4 =	sld [smem:$0x3FC7]  }
0x93: {  	s5 =	sld [smem:$0x3FC6];
	(tm) =	ssettm $0x1  }
0x94: {  	s6 =	sld [smem:$0x3FFB];
	_ =	sdelay $0x3  }
0x95: {  	_ =	strace s6  }
0x96: {  	s6 =	sld [smem:$0x3FFC];
	_ =	sdelay $0x3  }
0x97: {  	_ =	strace s6  }
0x98: {  	s6 =	sld [smem:$0x3FFD];
	_ =	sdelay $0x3  }
0x99: {  	_ =	strace s6  }
0x9a: {  	_ =	strace $0x8FFFFFFF  }
0x9b: {  	s19 =	sld [smem:$0x3FDB];
	_ =	sdelay $0x1  }
0x9c: {  	s7 =	simm.s32 $_scs_section_size  }
0x9d: {  	s8 =	simm.s32 $_size__tile_overlayer_lowered;
	s9 =	simm.s32 $_tile_overlayer_lowered  }
0x9e: {  	s22 =	simm.s32 $0x1BFF;
	s21 =	sshll.u32 s9, $0x1;
	s6 =	sadd.s32 s7, s19  }
0x9f: {  	s10 =	simm.s32 $0x0;
	s20 =	sshll.u32 s8, $0x1;
	s8 =	sadd.s32 s21, s6  }
0xa0: {  	[timem:s10], [sflag:s22] =	dma.local [hbm:s8], s20  }
0xa1: {  	_ =	swait.ge [sflag:s22], s20  }
0xa2: {  	s7 =	ssub.s32 $0x0, s20;
	[sflag:s22] =	ssyncset.done $0x0  }
0xa3: {  	[sflag:s22] =	ssyncadd.s32 s7;
	_ =	sdelay $0x1  }
0xa4: {  	s23 =	simm.s32 $0x1B8B  }
0xa5: {  	_ =	swait.ge [sflag:s23], $0x1  }
0xa6: {  	[sflag:s23] =	ssyncset.done $0x0  }
0xa7: {  	s25 =	simm.s32 $0x1B8E;
	s24 =	sld [smem:$0x3FFE];
	[sflag:s23] =	ssyncadd.s32 $0xFFFFFFFF  }
0xa8: {  	s26 =	simm.s32 $execute0_lowered;
	[smem:$0x3FD2] =	sst s25  }
0xa9: {  	s8 =	sshll.u32 s26, $0x1;
	_ =	strace $0x80000046;
	[dreg:$0x1] =	wrdreg $0xFFFFFFFF  }
0xaa: {  	s28 =	simm.s32 $_size_execute0_lowered;
	s6 =	sadd.s32 s6, s8;
	[dreg:$0x0] =	wrdreg $0x0  }
0xab: {  	s8 =	sshll.u32 s28, $0x1;
	[dreg:$0x2] =	wrdreg s6  }
0xac: {  	[dreg:$0x3] =	wrdreg s8  }
0xad: {  	[dreg:$0x4] =	wrdreg $0xC0  }
0xae: {  	_ =	task [dreg:s10], $0x5FFFF  }
0xaf: {  	[dreg:$0x1] =	wrdreg $0xFFFFFFFF  }
0xb0: {  	[dreg:$0x0] =	wrdreg $0x60  }
0xb1: {  	[dreg:$0x2] =	wrdreg s2  }
0xb2: {  	[dreg:$0x3] =	wrdreg s18  }
0xb3: {  	[dreg:$0x4] =	wrdreg s4  }
0xb4: {  	[dreg:$0x5] =	wrdreg s5  }
0xb5: {  	[dreg:$0x6] =	wrdreg s24  }
0xb6: {  	[dreg:$0x7] =	wrdreg $0x9  }
0xb7: {  	_ =	task.clear_ibuf [dreg:s10], $0x8FFFF;
	_ =	strace $0x90000046  }
0xb8: {  	s29 =	simm.s32 $0x9;
	_ =	strace $0x80000048  }
0xb9: {  	_ =	swait.ge [sflag:s29], $0x1  }
0xba: {  	[sflag:s29] =	ssyncadd.s32 $0xFFFFFFFF  }
0xbb: {  	_ =	strace $0x90000048  }
0xbc: {  	_ =	sfence  }
0xbd: {  	s30 =	sld [smem:$0x0];
	_ =	sdelay $0x2  }
0xbe: {  	s31 =	sshll.u32 s1, $0xD;
	s1 =	sshrl.u32 s1, $0x2  }
0xbf: {  	s3 =	sand.u32 $0x4000, s31;
	s1 =	sadd.s32 s1, s30  }
0xc0: {  	s0 =	sor.u32 s3, s0;
	s1 =	sshll.u32 s1, $0x11  }
0xc1: {  	s0 =	sor.u32 s1, s0  }
0xc2: {  	s0 =	sadd.s32 $0x8F2B, s0  }
0xc3: {  	[sflag:s0] =	ssyncadd.remote.s32 $0x1  }
0xc4: {  	_ =	sfence.sel $0xFFFF  }
0xc5: {  	[dreg:$0x0] =	wrdreg $0xFFFFFFFF;
	(pc) =	sbr.abs _section_cstart, $3  }
0xc6: {  	[dreg:$0x1] =	wrdreg $0xFFFFFFFF  }
0xc7: {  	_ =	task.clear_ibuf [dreg:s10], $0x2FFFF;
	_ =	strace $0x9FFFFFFF  }
0xc8: {  	(tm) =	ssettm $0x7FFFFFFF  }
0xc9: {  	_ =	shalt  }
tec
execute0_lowered:
.L_overlay_start_1:
0x0: {  	(tag) =	ssettag $0x1  }
0x1: {  	s0 =	rddreg [dreg:$0x0]  }
0x2: {  	s1 =	rddreg [dreg:$0x1]  }
0x3: {  	s2 =	rddreg [dreg:$0x3]  }
0x4: {  	s11 =	rddreg [dreg:$0x4]  }
0x5: {  	s3 =	srdreg.scid;
	s5 =	stileid.u32  }
0x6: {  	s13 =	simm.s32 $0x3;
	s14 =	simm.s32 $0x400;
	s15 =	simm.s32 $0x20000  }
0x7: {  	s31 =	simm.s32 $0x2;
	s4 =	sand.u32 $0x1, s3;
	s5 =	sshll.u32 s5, $0x1  }
0x8: {  	s3 =	simm.s32 $0x0;
	s6 =	ssub.s32 $0x2, s4;
	s7 =	sor.u32 s4, s5  }
0x9: {  	[smem:$0x7FF] =	sst s3;
	s29 =	sshrl.u32 s6, $0x1;
	s8 =	sshll.u32 s7, $0x7  }
0xa: {  	_ =	strace $0x80000047;
	s30 =	sshll.u32 s7, $0x4;
	s12 =	ssub.s32 s6, s29  }
0xb: {  	s4 =	sadd.s32 s2, s8;
	s7 =	sadd.s32 s0, s8;
	s8 =	sadd.s32 s1, s30  }
0xc: {  	s11 =	sadd.s32 s11, s30;
	s0 =	simm.s32 $0x1;
	s2 =	simm.s32 $0x0  }
0xd: {  	s5 =	sadd.s32 $0x34000, s4;
	s6 =	sadd.s32 $0x68000, s4;
	s9 =	sadd.s32 $0x9C000, s4  }
0xe: {  	s10 =	sadd.s32 $0xD0000, s4;
	s12 =	smax.u32 s12, $0x1;
	s16 =	sadd.s32 $0x30000, s4  }
0xf: {  	v0 =	vimm.f32 $0.0e+00;
	s23 =	sadd.s32 $0x30000, s7;
	s18 =	sadd.s32 $0x30000, s5;
	s21 =	sadd.s32 $0x30000, s6  }
.LBB2_1:
0x10: {  	s1 =	rddreg [dreg:$0x2]  }
0x11: {  	[tilespmem:s3], [sflag:$0x3] =	stream.linear.gather [hbm4b:s1+s3], $0x80, $0x38;
	[tilespmem:$0x13980] =	vst v63  }
0x12: {  	_ =	swait.ge [sflag:s13], $0x80  }
0x13: {  	[sflag:s13] =	ssyncset.done $0x0  }
0x14: {  	s17 =	simm.s32 $0x9D80;
	[sflag:s13] =	ssyncadd.s32 $0xFFFFFF80  }
0x15: {  	[tilespmem:s17], [sflag:$0x1] =	stream.strided.gather [hbm4b:s4+s14], $0x3000, s15, s14, $0x38;
	[tilespmem:$0x13980] =	vst v63  }
0x16: {  	s28 =	simm.s32 $0xCD80  }
0x17: {  	[tilespmem:s28], [sflag:$0x1] =	stream.linear.gather [hbm4b:s16+s3], $0x200, $0x38;
	[tilespmem:$0x13980] =	vst v63  }
0x18: {  	s19 =	simm.s32 $0xD180  }
0x19: {  	[tilespmem:s19], [sflag:$0x1] =	stream.strided.gather [hbm4b:s5+s14], $0x3000, s15, s14, $0x38;
	[tilespmem:$0x13980] =	vst v63  }
0x1a: {  	s29 =	simm.s32 $0x10180  }
0x1b: {  	[tilespmem:s29], [sflag:$0x1] =	stream.linear.gather [hbm4b:s18+s3], $0x200, $0x38;
	[tilespmem:$0x13980] =	vst v63  }
0x1c: {  	s30 =	simm.s32 $0x10580  }
0x1d: {  	[tilespmem:s30], [sflag:$0x1] =	stream.strided.gather [hbm4b:s6+s14], $0x3000, s15, s14, $0x38;
	[tilespmem:$0x13980] =	vst v63  }
0x1e: {  	s20 =	simm.s32 $0x13580  }
0x1f: {  	[tilespmem:s20], [sflag:$0x1] =	stream.linear.gather [hbm4b:s21+s3], $0x200, $0x38;
	[tilespmem:$0x13980] =	vst v63  }
0x20: {  	s20 =	simm.s32 $0x100  }
0x21: {  	[tilespmem:s20], [sflag:$0x2] =	stream.strided.gather [hbm4b:s7+s14], $0x3000, s15, s14, $0x38;
	[tilespmem:$0x13980] =	vst v63  }
0x22: {  	s22 =	simm.s32 $0x3100  }
0x23: {  	[tilespmem:s22], [sflag:$0x2] =	stream.linear.gather [hbm4b:s23+s3], $0x200, $0x38;
	[tilespmem:$0x13980] =	vst v63  }
0x24: {  	s24 =	simm.s32 $0x3500  }
0x25: {  	[tilespmem:s24], [sflag:$0x2] =	stream.linear.gather [hbm4b:s8+s3], $0x80, $0x38;
	[tilespmem:$0x13980] =	vst v63  }
0x26: {  	s25 =	simm.s32 $0x3580  }
0x27: {  	[tilespmem:s25], [sflag:$0x2] =	stream.strided.gather [hbm4b:s9+s14], $0x3000, s15, s14, $0x38;
	[tilespmem:$0x13980] =	vst v63  }
0x28: {  	s26 =	sadd.s32 $0x30000, s9;
	s22 =	simm.s32 $0x6580  }
0x29: {  	[tilespmem:s22], [sflag:$0x2] =	stream.linear.gather [hbm4b:s26+s3], $0x200, $0x38;
	[tilespmem:$0x13980] =	vst v63  }
0x2a: {  	s28 =	simm.s32 $0x6980  }
0x2b: {  	[tilespmem:s28], [sflag:$0x2] =	stream.strided.gather [hbm4b:s10+s14], $0x3000, s15, s14, $0x38;
	[tilespmem:$0x13980] =	vst v63  }
0x2c: {  	s29 =	sadd.s32 $0x30000, s10;
	s30 =	simm.s32 $0x9980  }
0x2d: {  	[tilespmem:s30], [sflag:$0x2] =	stream.linear.gather [hbm4b:s29+s3], $0x200, $0x38;
	[tilespmem:$0x13980] =	vst v63  }
0x2e: {  	_ =	swait.ge [sflag:s31], $0x3200  }
0x2f: {  	[sflag:s31] =	ssyncset.done $0x0  }
0x30: {  	[sflag:s31] =	ssyncadd.s32 $0xFFFFCE00  }
0x31: {  	_ =	swait.ge [sflag:s31], $0x80  }
0x32: {  	[sflag:s31] =	ssyncset.done $0x0  }
0x33: {  	[sflag:s31] =	ssyncadd.s32 $0xFFFFFF80  }
0x34: {  	_ =	swait.ge [sflag:s31], $0x3200  }
0x35: {  	[sflag:s31] =	ssyncset.done $0x0  }
0x36: {  	[sflag:s31] =	ssyncadd.s32 $0xFFFFCE00  }
0x37: {  	_ =	swait.ge [sflag:s31], $0x3200  }
0x38: {  	[sflag:s31] =	ssyncset.done $0x0  }
0x39: {  	[sflag:s31] =	ssyncadd.s32 $0xFFFFCE00  }
0x3a: {  	_ =	swait.ge [sflag:s0], $0x3200  }
0x3b: {  	[sflag:s0] =	ssyncset.done $0x0  }
0x3c: {  	[sflag:s0] =	ssyncadd.s32 $0xFFFFCE00  }
0x3d: {  	_ =	swait.ge [sflag:s0], $0x3200  }
0x3e: {  	[sflag:s0] =	ssyncset.done $0x0  }
0x3f: {  	[sflag:s0] =	ssyncadd.s32 $0xFFFFCE00  }
0x40: {  	_ =	swait.ge [sflag:s0], $0x3200  }
0x41: {  	s24 =	simm.s32 $0x6A00;
	s25 =	simm.s32 $0x3600;
	[sflag:s0] =	ssyncset.done $0x0  }
0x42: {  	v1 =	vimm.f32 $0.0e+00;
	s22 =	simm.s32 $0x10600;
	s26 =	simm.s32 $0x0;
	[sflag:s0] =	ssyncadd.s32 $0xFFFFCE00  }
.LBB2_2:
0x43: {  	v3 =	vmov s22  }
0x44: {  	v4 =	vmov s20  }
0x45: {  	v5 =	vmov s25  }
0x46: {  	s1 =	sshll.u32 s26, $0x4  }
0x47: {  	v6 =	vmov s19;
	s30 =	simm.s32 $0x0;
	v2 =	vld [tilespmem:s1+$0x3500]  }
0x48: {  	v7 =	vmov s24;
	v10 =	vld.idx.msk [tilespmem:v3+s30+$0xFFFFFF80 ss:$0x1], $0xffff  }
0x49: {  	v11 =	vld.idx.msk [tilespmem:v4+s30+$0x0 ss:$0x1], $0xffff  }
0x4a: {  	v12 =	vld.idx.msk [tilespmem:v5+s30+$0xFFFFFF80 ss:$0x1], $0xffff  }
0x4b: {  	v13 =	vld.idx.msk [tilespmem:v4+s30+$0x80 ss:$0x1], $0xffff  }
0x4c: {  	v14 =	vld.idx.msk [tilespmem:v6+s30+$0x0 ss:$0x1], $0xffff  }
0x4d: {  	v15 =	vld.idx.msk [tilespmem:v7+s30+$0xFFFFFF80 ss:$0x1], $0xffff  }
0x4e: {  	v16 =	vld.idx.msk [tilespmem:v7+s30+$0x0 ss:$0x1], $0xffff  }
0x4f: {  	s28 =	simm.s32 $0x0;
	v18 =	vld.idx.msk [tilespmem:v5+s30+$0x0 ss:$0x1], $0xffff;
	v17 =	vmul.f32 $5.000000000e+02, v11  }
0x50: {  	v9 =	vimm.f32 $-3.000000010e+38;
	v8 =	vmov s17;
	v19 =	vld.idx.msk [tilespmem:v6+s30+$0x80 ss:$0x1], $0xffff;
	vm0 =	veq.s32 v2, s28  }
0x51: {  	s29 =	simm.s32 $0x1;
	v11 =	vnsel vm0, $0x0, v11;
	v20 =	vmul.f32 $5.000000000e+02, v13;
	v22 =	vsel vm0, $0xD01502F9, v17  }
0x52: {  	vm15 =	veq.s32 v2, s29;
	v25 =	vadd.f32 v11, v0;
	v11 =	vadd.f32 v14, v22  }
0x53: {  	v24 =	vsel vm15, $0xD01502F9, v20;
	v10 =	vadd.f32 v10, v22;
	v12 =	vadd.f32 v12, v22  }
0x54: {  	v27 =	vnsel vm15, $0x0, v13;
	v13 =	vadd.f32 v16, v24;
	v15 =	vadd.f32 v15, v22  }
0x55: {  	v28 =	vadd.f32 v18, v24;
	v31 =	vadd.f32 v19, v24;
	v20 =	vmin.f32 v9, v11  }
0x56: {  	v14 =	vmin.f32 v9, v10;
	v29 =	vmax.f32 v9, v12;
	v33 =	vmax.f32 v9, v11  }
0x57: {  	v18 =	vld.idx.msk [tilespmem:v3+s30+$0x0 ss:$0x1], $0xffff;
	v11 =	vmin.f32 v9, v12;
	v21 =	vmax.f32 v9, v15;
	v10 =	vmax.f32 v9, v10  }
0x58: {  	v15 =	vmin.f32 v9, v15;
	v35 =	vmax.f32 v9, v20;
	v12 =	vmin.f32 v9, v11  }
0x59: {  	v36 =	vmin.f32 v33, v31;
	v38 =	vmax.f32 v9, v11;
	v40 =	vmin.f32 v29, v28  }
0x5a: {  	v23 =	vmax.f32 v9, v14;
	v41 =	vmin.f32 v21, v13;
	v17 =	vmin.f32 v35, v36  }
0x5b: {  	v11 =	vmin.f32 v9, v12;
	v32 =	vmax.f32 v9, v12;
	v12 =	vmin.f32 v9, v14  }
0x5c: {  	v16 =	vmax.f32 v9, v11;
	v11 =	vmin.f32 v9, v11;
	v18 =	vadd.f32 v18, v24  }
0x5d: {  	v34 =	vmin.f32 v38, v40;
	v19 =	vmax.f32 v9, v11;
	v11 =	vmin.f32 v9, v12  }
0x5e: {  	v12 =	vmax.f32 v9, v12;
	v26 =	vmin.f32 v10, v18;
	v14 =	vmin.f32 v9, v11  }
0x5f: {  	v37 =	vmax.f32 v9, v11;
	v30 =	vmin.f32 v23, v26;
	v39 =	vmax.f32 v9, v14  }
0x60: {  	v14 =	vmax.f32 v10, v18;
	v18 =	vmax.f32 v23, v26;
	v23 =	vmin.f32 v9, v15  }
0x61: {  	v11 =	vmax.f32 v12, v30;
	v30 =	vmin.f32 v12, v30;
	v42 =	vmax.f32 v9, v23  }
0x62: {  	v12 =	vmax.f32 v37, v30;
	v30 =	vmin.f32 v37, v30;
	v37 =	vmin.f32 v9, v20  }
0x63: {  	v20 =	vimm.f32 $-3.000000010e+38;
	v10 =	vmax.f32 v39, v30;
	v39 =	vmin.f32 v32, v34  }
0x64: {  	v30 =	vmax.f32 v9, v15;
	v15 =	vmin.f32 v9, v23;
	v26 =	vmax.f32 v16, v39  }
0x65: {  	v43 =	vmin.f32 v30, v41;
	v23 =	vmin.f32 v9, v15;
	v44 =	vmax.f32 v9, v15  }
0x66: {  	v62 =	vld.idx.msk [tilespmem:v8+s30+$0x0 ss:$0x1], $0xffff;
	v15 =	vmax.f32 v42, v43;
	v45 =	vmax.f32 v9, v23;
	v63 =	vmin.f32 v42, v43  }
0x67: {  	v23 =	vmax.f32 v30, v41;
	v30 =	vmax.f32 v21, v13;
	v13 =	vmin.f32 v44, v63  }
0x68: {  	v42 =	vmax.f32 v29, v28;
	v41 =	vmax.f32 v32, v34;
	v13 =	vmax.f32 v45, v13;
	v45 =	vld.idx.msk [tilespmem:v8+s30+$0x80 ss:$0x1], $0xffff  }
0x69: {  	v43 =	vadd.f32 v27, v25;
	v25 =	vimm.f32 $-3.000000010e+38;
	v28 =	vimm.f32 $-3.000000010e+38  }
0x6a: {  	v34 =	vimm.f32 $-3.000000010e+38;
	v29 =	vimm.f32 $-3.000000010e+38;
	v27 =	vimm.f32 $-3.000000010e+38  }
0x6b: {  	s29 =	simm.s32 $0x400;
	v21 =	vmax.f32 v44, v63;
	v44 =	vadd.f32 v22, v62;
	v22 =	vimm.f32 $-3.000000010e+38  }
.LBB2_3:
0x6c: {  	s1 =	smov.u32 s29  }
0x6d: {  	s30 =	sshra.s32 s29, $0x2;
	v24 =	vadd.f32 v24, v45;
	v32 =	vmax.f32 v35, v36;
	v38 =	vmax.f32 v38, v40;
	s28 =	sadd.s32 $0x2, s28;
	s1 =	sadd.s32 $0x400, s29  }
0x6e: {  	p0 =	sne.s32 s29, $0xC400;
	v33 =	vmax.f32 v33, v31;
	v36 =	vmax.f32 v9, v44;
	v9 =	vmin.f32 v9, v44;
	v35 =	vld.idx.msk [tilespmem:v3+s30+$0xFFFFFF80 ss:$0x1], $0xffff  }
0x6f: {  	v40 =	vmax.f32 v25, v9;
	v44 =	vmin.f32 v25, v9;
	v45 =	vmin.f32 v36, v24;
	v31 =	vld.idx.msk [tilespmem:v5+s30+$0xFFFFFF80 ss:$0x1], $0xffff  }
0x70: {  	v47 =	vmax.f32 v28, v37;
	v25 =	vmin.f32 v28, v37;
	v9 =	vmax.f32 v36, v24;
	v46 =	vld.idx.msk [tilespmem:v6+s30+$0x0 ss:$0x1], $0xffff  }
0x71: {  	v24 =	vmax.f32 v34, v25;
	v28 =	vmin.f32 v34, v25;
	v25 =	vmax.f32 v40, v45;
	v37 =	vld.idx.msk [tilespmem:v8+s30+$0x0 ss:$0x1], $0xffff  }
0x72: {  	v34 =	vmin.f32 v40, v45;
	v40 =	vmin.f32 v47, v17;
	v29 =	vmax.f32 v29, v28;
	v36 =	vld.idx.msk [tilespmem:v4+s30+$0x0 ss:$0x1], $0xffff  }
0x73: {  	v16 =	vmin.f32 v16, v39;
	v48 =	vmax.f32 v22, v44;
	v28 =	vmax.f32 v47, v17;
	v45 =	vld.idx.msk [tilespmem:v4+s30+$0x80 ss:$0x1], $0xffff  }
0x74: {  	s29 =	sadd.s32 $0x1, s28;
	v19 =	vmax.f32 v19, v16;
	v39 =	vmin.f32 v48, v34;
	v47 =	vmin.f32 v24, v40;
	v17 =	vld.idx.msk [tilespmem:v7+s30+$0xFFFFFF80 ss:$0x1], $0xffff  }
0x75: {  	vm0 =	veq.s32 v2, s29;
	v22 =	vmin.f32 v22, v44;
	v29 =	vmax.f32 v29, v47;
	v16 =	vld.idx.msk [tilespmem:v7+s30+$0x0 ss:$0x1], $0xffff  }
0x76: {  	vm1 =	veq.s32 v2, s28;
	v47 =	vmax.f32 v27, v22;
	v22 =	vmin.f32 v27, v22;
	v44 =	vld.idx.msk [tilespmem:v3+s30+$0x0 ss:$0x1], $0xffff  }
0x77: {  	v20 =	vmax.f32 v20, v22;
	v22 =	vmax.f32 v48, v34;
	v34 =	vmax.f32 v24, v40;
	v49 =	vld.idx.msk [tilespmem:v5+s30+$0x0 ss:$0x1], $0xffff  }
0x78: {  	v40 =	vmin.f32 v47, v39;
	v24 =	vmul.f32 $5.000000000e+02, v36;
	v27 =	vnsel vm1, $0x0, v36;
	v36 =	vld.idx.msk [tilespmem:v6+s30+$0x80 ss:$0x1], $0xffff  }
0x79: {  	v20 =	vmax.f32 v20, v40;
	v43 =	vadd.f32 v27, v43;
	v48 =	vmul.f32 $5.000000000e+02, v45  }
0x7a: {  	v51 =	vnsel vm0, $0x0, v45;
	v27 =	vmax.f32 v47, v39;
	v50 =	vsel vm1, $0xD01502F9, v24  }
0x7b: {  	v39 =	vadd.f32 v46, v50;
	v40 =	vadd.f32 v31, v50;
	v24 =	vsel vm0, $0xD01502F9, v48  }
0x7c: {  	v45 =	vadd.f32 v35, v50;
	v46 =	vadd.f32 v16, v24  }
0x7d: {  	v48 =	vadd.f32 v17, v50;
	v47 =	vmin.f32 v33, v39;
	v49 =	vadd.f32 v49, v24  }
0x7e: {  	v52 =	vmin.f32 v14, v45;
	v53 =	vmax.f32 v42, v40;
	v31 =	vadd.f32 v36, v24  }
0x7f: {  	v33 =	vmax.f32 v33, v39;
	v16 =	vmin.f32 v42, v40;
	v42 =	vmax.f32 v30, v48  }
0x80: {  	v35 =	vmax.f32 v32, v47;
	v39 =	vmin.f32 v38, v16;
	v36 =	vmin.f32 v33, v31  }
0x81: {  	v38 =	vmax.f32 v38, v16;
	v40 =	vmin.f32 v53, v49;
	v17 =	vmin.f32 v35, v36  }
0x82: {  	v54 =	vmax.f32 v41, v39;
	v39 =	vmin.f32 v41, v39;
	v41 =	vmin.f32 v38, v40  }
0x83: {  	v16 =	vmax.f32 v26, v39;
	v26 =	vmin.f32 v26, v39;
	v39 =	vadd.f32 v44, v24  }
0x84: {  	v14 =	vmax.f32 v14, v45;
	v44 =	vmin.f32 v18, v52;
	v19 =	vmax.f32 v19, v26  }
0x85: {  	v18 =	vmax.f32 v18, v52;
	v26 =	vmin.f32 v11, v44;
	v45 =	vmin.f32 v14, v39  }
0x86: {  	v44 =	vmax.f32 v11, v44;
	v52 =	vmin.f32 v12, v26;
	v55 =	vmin.f32 v18, v45  }
0x87: {  	v26 =	vmax.f32 v12, v26;
	v11 =	vmax.f32 v44, v55;
	v44 =	vmin.f32 v44, v55  }
0x88: {  	v10 =	vmax.f32 v10, v52;
	v12 =	vmax.f32 v26, v44;
	v26 =	vmin.f32 v26, v44  }
0x89: {  	v14 =	vmax.f32 v14, v39;
	v39 =	vmin.f32 v54, v41;
	v10 =	vmax.f32 v10, v26  }
0x8a: {  	v30 =	vmin.f32 v30, v48;
	v18 =	vmax.f32 v18, v45;
	v26 =	vmax.f32 v16, v39  }
0x8b: {  	v44 =	vmax.f32 v23, v30;
	v23 =	vmin.f32 v23, v30;
	v30 =	vmin.f32 v42, v46  }
0x8c: {  	v48 =	vmax.f32 v15, v23;
	v15 =	vmin.f32 v15, v23;
	v52 =	vmin.f32 v44, v30;
	v45 =	vld.idx.msk [tilespmem:v8+s30+$0x80 ss:$0x1], $0xffff  }
.Ltmp0:
0x8d: {  	v55 =	vmax.f32 v21, v15;
	v21 =	vmin.f32 v21, v15;
	v15 =	vmax.f32 v48, v52;
	(pc) =	sbr.rel @p0 .LBB2_3-.Ltmp0, $4  }
0x8e: {  	v23 =	vmax.f32 v44, v30;
	v44 =	vmin.f32 v48, v52;
	v13 =	vmax.f32 v13, v21  }
0x8f: {  	v30 =	vmax.f32 v42, v46;
	v21 =	vmax.f32 v55, v44;
	v44 =	vmin.f32 v55, v44  }
0x90: {  	v41 =	vmax.f32 v54, v41;
	v42 =	vmax.f32 v53, v49;
	v13 =	vmax.f32 v13, v44  }
0x91: {  	s29 =	smov.u32 s1;
	v43 =	vadd.f32 v51, v43;
	v44 =	vadd.f32 v50, v37;
	v37 =	vmin.f32 v32, v47  }
0x92: {  	v3 =	vadd.f32 v24, v45;
	v7 =	vmin.f32 v28, v37;
	v60 =	vmax.f32 v28, v37  }
0x93: {  	v4 =	vmax.f32 v9, v44;
	v5 =	vmin.f32 v9, v44;
	v8 =	vmin.f32 v34, v7  }
0x94: {  	v7 =	vmax.f32 v34, v7;
	v6 =	vmax.f32 v25, v5;
	v5 =	vmin.f32 v25, v5  }
0x95: {  	v3 =	vmin.f32 v4, v3;
	v8 =	vmax.f32 v29, v8;
	v4 =	vmin.f32 v60, v17  }
0x96: {  	v3 =	vmin.f32 v6, v3;
	v61 =	vmax.f32 v22, v5;
	v5 =	vmin.f32 v22, v5  }
0x97: {  	v3 =	vmin.f32 v61, v3;
	v62 =	vmax.f32 v27, v5;
	v5 =	vmin.f32 v27, v5  }
0x98: {  	v4 =	vmin.f32 v7, v4;
	v5 =	vmax.f32 v20, v5;
	v3 =	vmin.f32 v62, v3  }
0x99: {  	v4 =	vmax.f32 v8, v4;
	v3 =	vmax.f32 v5, v3  }
0x9a: {  	v3 =	vadd.f32 v4, v3;
	_ =	sdelay $0x1  }
0x9b: {  	v63 =	vmin.f32 v16, v39;
	v3 =	vadd.f32 v10, v3  }
0x9c: {  	v2 =	vld.idx.msk [tilespmem:v2+s3+$0x0], $0xffff;
	v4 =	vmax.f32 v19, v63  }
0x9d: {  	v3 =	vadd.f32 v4, v3;
	_ =	sdelay $0x1  }
0x9e: {  	v3 =	vadd.f32 v13, v3;
	_ =	sdelay $0x1  }
0x9f: {  	v2 =	vsub.f32 v43, v2;
	v3 =	vmul.f32 $1.999999960e-02, v3  }
0xa0: {  	s26 =	sadd.s32 $0x1, s26  }
0xa1: {  	p0 =	sne.s32 s26, $0x8;
	v2 =	vmul.f32 $-5.000000000e+01, v2;
	v3 =	vadd.f32 $1.000000000e+00, v3  }
.Ltmp1:
0xa2: {  	_ = 	snop;
	(pc) =	sbr.rel @p0 .LBB2_2-.Ltmp1, $3  }
0xa3: {  	v2 =	vadd.f32 v2, v3;
	_ =	sdelay $0x1  }
0xa4: {  	s22 =	sadd.s32 $0x10, s22;
	s19 =	sadd.s32 $0x10, s19;
	s17 =	sadd.s32 $0x10, s17;
	v2 =	vmax.f32 v2, $0.0e+00  }
0xa5: {  	s20 =	sadd.s32 $0x10, s20;
	s24 =	sadd.s32 $0x10, s24;
	s25 =	sadd.s32 $0x10, s25;
	v1 =	vadd.f32 v2, v1  }
0xa6: {  	s2 =	sadd.s32 $0x1, s2  }
0xa7: {  	p0 =	sne.s32 s2, s12  }
.Ltmp2:
0xa8: {  	s1 =	simm.s32 $0x80;
	[tilespmem:$0x80] =	vst v1;
	(pc) =	sbr.rel @p0 .LBB2_1-.Ltmp2, $4  }
0xa9: {  	[hbm4b:s11+s3] =	stream.linear.scatter [tilespmem:s1], [sflag:$0x3], $0x80, $0x38;
	[tilespmem:$0x13980] =	vst v63  }
0xaa: {  	_ =	swait.ge [sflag:s13], $0x80  }
0xab: {  	[sflag:s13] =	ssyncset.done $0x0  }
0xac: {  	[sflag:s13] =	ssyncadd.s32 $0xFFFFFF80  }
0xad: {  	_ =	sfence.sel $0x180000  }
0xae: {  	[bflag:$0x0] =	sbarrier.arrive $0xFFFF  }
0xaf: {  	_ =	strace $0x90000047  }
0xb0: {  	s0 =	stileid.u32;
	[bflag:$0x2] =	sbarrier.arrive $0xFFFF  }
0xb1: {  	p0 =	sne.s32 s0, $0x0;
	s0 =	rddreg [dreg:$0x5]  }
0xb2: {  	s0 =	sadd.s32 @!p0 $0x100000, s0  }
0xb3: {  	[sflag:s0] =	ssyncadd.tile.s32 @!p0 $0x1;
	_ =	shalt  }
.Lfunc_end2:
_tile_overlayer_lowered:
.L_overlay_start_2:
0xb4: {  	(tag) =	ssettag $0x2  }
0xb5: {  	s0 =	rddreg [dreg:$0x0];
	s2 =	stileid.u32  }
0xb6: {  	s1 =	rddreg [dreg:$0x1];
	p0 =	sne.s32 s2, $0x0  }
0xb7: {  	s3 =	rddreg [dreg:$0x2];
	[bflag:$0x3] =	sbarrier.arrive $0xFFFF;
	s2 =	simm.s32 @!p0 $0x1C03  }
0xb8: {  	[timem:s3], [sflag:s2] =	dma.local @!p0 [hbm:s0], s1  }
0xb9: {  	s0 =	simm.s32 @!p0 $0x3  }
0xba: {  	_ =	swait.ge @!p0 [sflag:s0], s1  }
0xbb: {  	s1 =	ssub.s32 @!p0 $0x0, s1;
	[sflag:s0] =	ssyncset.done @!p0 $0x0  }
0xbc: {  	[sflag:s0] =	ssyncadd.s32 @!p0 s1  }
0xbd: {  	[bflag:$0x3] =	sbarrier.arrive $0xFFFF  }
0xbe: {  	_ =	shalt  }

</sc_bundles>
